<compile_context>
chip_gen: v7x
topology: tpu7x:2x2x1
jax: 0.10.2.dev20260603
libtpu: 0.0.44.dev20260713+nightly
codegen_flags: <defaults>
</compile_context>

<pallas_src>
import functools

import jax
import jax.numpy as jnp
from jax import lax
from jax.experimental import pallas as pl
from jax.experimental.pallas import tpu as pltpu
from jax.experimental.pallas import tpu_sc as plsc

NC = 2
NS = 16
CHUNK = 128


def _sc_count(col, ones_hbm, zeros_hbm):
    (E,) = col.shape
    Np = zeros_hbm.shape[0]
    CW = ones_hbm.shape[1]
    nchunks = E // CHUNK
    base, rem = divmod(nchunks, NC * NS)
    rows_per_s = Np // NS

    mesh = plsc.VectorSubcoreMesh(core_axis_name="c", subcore_axis_name="s", num_cores=NC, num_subcores=NS)

    def body(col_hbm, ones_h, zeros_h, out_hbm, coli_v, ones_v, acc_sh, sem):
        c = lax.axis_index("c")
        s = lax.axis_index("s")
        wid = c * NS + s
        pltpu.sync_copy(ones_h, ones_v)
        pltpu.sync_copy(
            zeros_h.at[pl.ds(s * rows_per_s, rows_per_s)],
            acc_sh.at[pl.ds(s * rows_per_s, rows_per_s)],
        )
        plsc.subcore_barrier()

        start = wid * base + jnp.minimum(wid, rem)
        count = base + jnp.where(wid < rem, 1, 0)

        @pl.loop(0, count)
        def _(j):
            ebase = (start + j) * CHUNK
            pltpu.sync_copy(col_hbm.at[pl.ds(ebase, CHUNK)], coli_v)
            pltpu.sync_copy(ones_v, acc_sh.at[coli_v], add=True)

        plsc.subcore_barrier()
        pltpu.sync_copy(
            acc_sh.at[pl.ds(s * rows_per_s, rows_per_s)],
            out_hbm.at[c, pl.ds(s * rows_per_s, rows_per_s)],
        )

    return pl.kernel(
        body,
        out_type=jax.ShapeDtypeStruct((NC, Np, CW), jnp.float32),
        mesh=mesh,
        scratch_types=[
            pltpu.VMEM((CHUNK,), jnp.int32),
            pltpu.VMEM((CHUNK, CW), jnp.float32),
            pltpu.VMEM_SHARED((Np, CW), jnp.float32),
            pltpu.SemaphoreType.DMA,
        ],
    )(col, ones_hbm, zeros_hbm)


def _sc_scatter(table, row, col, zeros_hbm):
    D = table.shape[1]
    (E,) = row.shape
    Np = zeros_hbm.shape[0]
    nchunks = E // CHUNK
    base, rem = divmod(nchunks, NC * NS)
    rows_per_s = Np // NS

    mesh = plsc.VectorSubcoreMesh(core_axis_name="c", subcore_axis_name="s", num_cores=NC, num_subcores=NS)

    def body(table_hbm, row_hbm, col_hbm, zeros_h, out_hbm,
             rowi_v, coli_v, rows_v, acc_sh, sem):
        c = lax.axis_index("c")
        s = lax.axis_index("s")
        wid = c * NS + s
        pltpu.sync_copy(
            zeros_h.at[pl.ds(s * rows_per_s, rows_per_s)],
            acc_sh.at[pl.ds(s * rows_per_s, rows_per_s)],
        )
        plsc.subcore_barrier()

        start = wid * base + jnp.minimum(wid, rem)
        count = base + jnp.where(wid < rem, 1, 0)

        @pl.loop(0, count)
        def _(j):
            ebase = (start + j) * CHUNK
            pltpu.sync_copy(row_hbm.at[pl.ds(ebase, CHUNK)], rowi_v)
            pltpu.sync_copy(col_hbm.at[pl.ds(ebase, CHUNK)], coli_v)
            pltpu.async_copy(table_hbm.at[rowi_v], rows_v, sem).wait()
            pltpu.sync_copy(rows_v, acc_sh.at[coli_v], add=True)

        plsc.subcore_barrier()
        pltpu.sync_copy(
            acc_sh.at[pl.ds(s * rows_per_s, rows_per_s)],
            out_hbm.at[c, pl.ds(s * rows_per_s, rows_per_s)],
        )

    return pl.kernel(
        body,
        out_type=jax.ShapeDtypeStruct((NC, Np, D), jnp.float32),
        mesh=mesh,
        scratch_types=[
            pltpu.VMEM((CHUNK,), jnp.int32),
            pltpu.VMEM((CHUNK,), jnp.int32),
            pltpu.VMEM((CHUNK, D), jnp.float32),
            pltpu.VMEM_SHARED((Np, D), jnp.float32),
            pltpu.SemaphoreType.DMA,
        ],
    )(table, row, col, zeros_hbm)


_BLK = 2000


def _tc_stage_a(cnt2, x, W1):
    N, D = x.shape

    def body(cnt_ref, x_ref, w_ref, p1_ref, t1_ref, dinv_ref, invc_ref):
        cnt = cnt_ref[0][:, 0:1] + cnt_ref[1][:, 0:1]
        dinv = lax.rsqrt(cnt + 1.0)
        invc = 1.0 / jnp.maximum(cnt, 1.0)
        p1 = jnp.dot(x_ref[...], w_ref[...], preferred_element_type=jnp.float32)
        p1_ref[...] = p1
        t1_ref[...] = dinv * p1
        dinv_ref[...] = dinv
        invc_ref[...] = invc

    grid = N // _BLK
    return pl.pallas_call(
        body,
        grid=(grid,),
        in_specs=[
            pl.BlockSpec((NC, _BLK, 128), lambda i: (0, i, 0)),
            pl.BlockSpec((_BLK, D), lambda i: (i, 0)),
            pl.BlockSpec((D, D), lambda i: (0, 0)),
        ],
        out_specs=[
            pl.BlockSpec((_BLK, D), lambda i: (i, 0)),
            pl.BlockSpec((_BLK, D), lambda i: (i, 0)),
            pl.BlockSpec((_BLK, 1), lambda i: (i, 0)),
            pl.BlockSpec((_BLK, 1), lambda i: (i, 0)),
        ],
        out_shape=[
            jax.ShapeDtypeStruct((N, D), jnp.float32),
            jax.ShapeDtypeStruct((N, D), jnp.float32),
            jax.ShapeDtypeStruct((N, 1), jnp.float32),
            jax.ShapeDtypeStruct((N, 1), jnp.float32),
        ],
    )(cnt2, x, W1)


def _tc_stage_b(S, P, dinv, b, W):
    N, D = P.shape

    def body(s_ref, p_ref, dinv_ref, b_ref, w_ref, pn_ref, tn_ref):
        dv = dinv_ref[...]
        h = jax.nn.relu(dv * (s_ref[0] + s_ref[1] + dv * p_ref[...]) + b_ref[...])
        pn = jnp.dot(h, w_ref[...], preferred_element_type=jnp.float32)
        pn_ref[...] = pn
        tn_ref[...] = dv * pn

    grid = N // _BLK
    return pl.pallas_call(
        body,
        grid=(grid,),
        in_specs=[
            pl.BlockSpec((NC, _BLK, D), lambda i: (0, i, 0)),
            pl.BlockSpec((_BLK, D), lambda i: (i, 0)),
            pl.BlockSpec((_BLK, 1), lambda i: (i, 0)),
            pl.BlockSpec((1, D), lambda i: (0, 0)),
            pl.BlockSpec((D, D), lambda i: (0, 0)),
        ],
        out_specs=[
            pl.BlockSpec((_BLK, D), lambda i: (i, 0)),
            pl.BlockSpec((_BLK, D), lambda i: (i, 0)),
        ],
        out_shape=[
            jax.ShapeDtypeStruct((N, D), jnp.float32),
            jax.ShapeDtypeStruct((N, D), jnp.float32),
        ],
    )(S, P, dinv, b, W)


def _tc_stage_c(S, P, dinv, b):
    N, D = P.shape

    def body(s_ref, p_ref, dinv_ref, b_ref, h_ref):
        dv = dinv_ref[...]
        h_ref[...] = jax.nn.relu(
            dv * (s_ref[0] + s_ref[1] + dv * p_ref[...]) + b_ref[...]
        )

    grid = N // _BLK
    return pl.pallas_call(
        body,
        grid=(grid,),
        in_specs=[
            pl.BlockSpec((NC, _BLK, D), lambda i: (0, i, 0)),
            pl.BlockSpec((_BLK, D), lambda i: (i, 0)),
            pl.BlockSpec((_BLK, 1), lambda i: (i, 0)),
            pl.BlockSpec((1, D), lambda i: (0, 0)),
        ],
        out_specs=pl.BlockSpec((_BLK, D), lambda i: (i, 0)),
        out_shape=jax.ShapeDtypeStruct((N, D), jnp.float32),
    )(S, P, dinv, b)


def _tc_stage_d(AG, invc, H2, Wl, bl, Wr):
    N, D = H2.shape

    def body(ag_ref, invc_ref, h_ref, wl_ref, bl_ref, wr_ref, out_ref):
        mean = invc_ref[...] * (ag_ref[0] + ag_ref[1])
        out_ref[...] = (
            jnp.dot(mean, wl_ref[...], preferred_element_type=jnp.float32)
            + bl_ref[...]
            + jnp.dot(h_ref[...], wr_ref[...], preferred_element_type=jnp.float32)
        )

    grid = N // _BLK
    return pl.pallas_call(
        body,
        grid=(grid,),
        in_specs=[
            pl.BlockSpec((NC, _BLK, D), lambda i: (0, i, 0)),
            pl.BlockSpec((_BLK, 1), lambda i: (i, 0)),
            pl.BlockSpec((_BLK, D), lambda i: (i, 0)),
            pl.BlockSpec((D, D), lambda i: (0, 0)),
            pl.BlockSpec((1, D), lambda i: (0, 0)),
            pl.BlockSpec((D, D), lambda i: (0, 0)),
        ],
        out_specs=pl.BlockSpec((_BLK, D), lambda i: (i, 0)),
        out_shape=jax.ShapeDtypeStruct((N, D), jnp.float32),
    )(AG, invc, H2, Wl, bl, Wr)


def kernel(x, edge_index, W1, b1, W2, b2, Wl, bl, Wr):
    N, D = x.shape
    row = edge_index[0]
    col = edge_index[1]
    b1r = b1.reshape(1, D)
    b2r = b2.reshape(1, D)
    blr = bl.reshape(1, D)
    Npad = ((N + 8 * NS - 1) // (8 * NS)) * (8 * NS)
    zeros_nd = jnp.zeros((Npad, D), jnp.float32)
    ones_cd = jnp.ones((CHUNK, D), jnp.float32)

    cnt2 = _sc_count(col, ones_cd, zeros_nd)
    P1, T1, dinv, invc = _tc_stage_a(cnt2, x, W1)
    S1 = _sc_scatter(T1, row, col, zeros_nd)
    P2, T2 = _tc_stage_b(S1, P1, dinv, b1r, W2)
    S2 = _sc_scatter(T2, row, col, zeros_nd)
    H2 = _tc_stage_c(S2, P2, dinv, b2r)
    AG = _sc_scatter(H2, row, col, zeros_nd)
    out = _tc_stage_d(AG, invc, H2, Wl, blr, Wr)
    return out

# --- scband reference (transcript-rebuilt; emitter-appended) ---
"""Pipeline reference for scband-tlmg4-eth-81604378624012 (READ-ONLY COPY).

The authoritative reference and input builder live on the scoring server;
editing this copy changes nothing except your own understanding.
"""

import jax, jax.numpy as jnp
import numpy as np

N = 10000
E = 320000
D = 128


def setup_inputs(seed: int = 0) -> dict:
    key = jax.random.key(seed)
    ks = jax.random.split(key, 10)
    scale = 1.0 / np.sqrt(D)
    x = jax.random.normal(ks[0], (N, D), dtype=jnp.float32)
    edge_index = jax.random.randint(ks[1], (2, E), 0, N, dtype=jnp.int32)
    # GCNConv layer 1 params
    W1 = jax.random.normal(ks[2], (D, D), dtype=jnp.float32) * scale
    b1 = jnp.zeros((D,), dtype=jnp.float32)
    # GCNConv layer 2 params
    W2 = jax.random.normal(ks[3], (D, D), dtype=jnp.float32) * scale
    b2 = jnp.zeros((D,), dtype=jnp.float32)
    # SAGEConv params (lin_l applied to neighbor mean, lin_r applied to self)
    Wl = jax.random.normal(ks[4], (D, D), dtype=jnp.float32) * scale
    bl = jnp.zeros((D,), dtype=jnp.float32)
    Wr = jax.random.normal(ks[5], (D, D), dtype=jnp.float32) * scale
    return {"x": x, "edge_index": edge_index, "W1": W1, "b1": b1, "W2": W2, "b2": b2, "Wl": Wl, "bl": bl, "Wr": Wr}


def reference(x, edge_index, W1, b1, W2, b2, Wl, bl, Wr):
    row = edge_index[0]
    col = edge_index[1]
    # ---- GCN normalization with self-loops (torch_geometric GCNConv default) ----
    loop = jnp.arange(N, dtype=row.dtype)
    row_sl = jnp.concatenate([row, loop])
    col_sl = jnp.concatenate([col, loop])
    deg = jax.ops.segment_sum(jnp.ones_like(col_sl, dtype=jnp.float32), col_sl, num_segments=N)
    deg_inv_sqrt = jnp.where(deg > 0, 1.0 / jnp.sqrt(jnp.where(deg > 0, deg, 1.0)), 0.0)
    norm = deg_inv_sqrt[row_sl] * deg_inv_sqrt[col_sl]

    def gcn_conv(h, W, b):
        h = h @ W
        msg = h[row_sl] * norm[:, None]
        out = jax.ops.segment_sum(msg, col_sl, num_segments=N)
        return out + b

    h = jax.nn.relu(gcn_conv(x, W1, b1))
    h = jax.nn.relu(gcn_conv(h, W2, b2))

    # ---- SAGEConv (mean aggregation, no self-loops) ----
    agg = jax.ops.segment_sum(h[row], col, num_segments=N)
    cnt = jax.ops.segment_sum(jnp.ones_like(col, dtype=jnp.float32), col, num_segments=N)
    mean = agg / jnp.clip(cnt, 1.0)[:, None]
    out = mean @ Wl + bl + h @ Wr
    return out

if __name__ == "__main__":
    import jax
    _d = setup_inputs()
    print(jax.jit(kernel)(*tuple(_d.values())))

</pallas_src>

<mosaic_0001>
#map = affine_map<(d0, d1) -> (0, 0)>
#map1 = affine_map<(d0, d1) -> (0)>
#map2 = affine_map<(d0, d1) -> (0, 0, 0)>
module attributes {stable_mosaic.version = 14 : i64} {
  func.func @body(%arg0: i32, %arg1: i32, %arg2: memref<10000x128xf32, #tpu.memory_space<hbm>>, %arg3: memref<320000xi32, #tpu.memory_space<hbm>>, %arg4: memref<320000xi32, #tpu.memory_space<hbm>>, %arg5: memref<10112x128xf32, #tpu.memory_space<hbm>>, %arg6: memref<2x10112x128xf32, #tpu.memory_space<hbm>>, %arg7: memref<128xi32, #tpu.memory_space<vmem>>, %arg8: memref<128xi32, #tpu.memory_space<vmem>>, %arg9: memref<128x128xf32, #tpu.memory_space<vmem>>, %arg10: memref<10112x128xf32, #tpu.memory_space<vmem_shared>>, %arg11: memref<!tpu.dma_semaphore, #tpu.memory_space<semaphore_mem>>) attributes {dimension_semantics = [#tpu.dimension_semantics<core_parallel>, #tpu.dimension_semantics<subcore_parallel>], iteration_bounds = array<i64: 2, 16>, scalar_prefetch = 0 : i64, scratch_operands = 5 : i64, tpu.core_type = #tpu.core_type<sc_vector_subcore>, window_params = [{transform_indices = #map}, {transform_indices = #map1}, {transform_indices = #map1}, {transform_indices = #map}, {transform_indices = #map2}]} {
    %mul3A = arith.constant 16 : i32
    %mul3A_0 = arith.muli %arg0, %mul3A : i32
    %add3A = arith.addi %mul3A_0, %arg1 : i32
    %mul3A_1 = arith.constant 632 : i32
    %mul3A_2 = arith.muli %arg1, %mul3A_1 : i32
    %mul3A_3 = arith.constant 632 : i32
    %mul3A_4 = arith.muli %arg1, %mul3A_3 : i32
    "tpu.region"() ({
      %run_scoped3A = tpu.sem_alloc : memref<!tpu.dma_semaphore, #tpu.memory_space<semaphore_mem>>
      %dma_start3A = arith.constant 0 : i32
      %dma_start3A_34 = tpu.memref_slice %arg10[%mul3A_4, %dma_start3A] : memref<10112x128xf32, #tpu.memory_space<vmem_shared>> -> memref<632x128xf32, #tpu.memory_space<vmem_shared>>
      %dma_start3A_35 = arith.constant 0 : i32
      %dma_start3A_36 = tpu.memref_slice %arg5[%mul3A_2, %dma_start3A_35] : memref<10112x128xf32, #tpu.memory_space<hbm>> -> memref<632x128xf32, #tpu.memory_space<hbm>>
      tpu.enqueue_dma source(%dma_start3A_36 : memref<632x128xf32, #tpu.memory_space<hbm>>) target(%dma_start3A_34 : memref<632x128xf32, #tpu.memory_space<vmem_shared>>) target_semaphore(%run_scoped3A : memref<!tpu.dma_semaphore, #tpu.memory_space<semaphore_mem>>)
      %dma_wait3A = arith.constant 0 : i32
      %dma_wait3A_37 = tpu.memref_slice %arg10[%mul3A_4, %dma_wait3A] : memref<10112x128xf32, #tpu.memory_space<vmem_shared>> -> memref<632x128xf32, #tpu.memory_space<vmem_shared>>
      %dma_wait3A_38 = arith.constant 0 : i32
      %dma_wait3A_39 = tpu.memref_slice %arg5[%mul3A_2, %dma_wait3A_38] : memref<10112x128xf32, #tpu.memory_space<hbm>> -> memref<632x128xf32, #tpu.memory_space<hbm>>
      tpu.wait_dma2 semaphore(%run_scoped3A : memref<!tpu.dma_semaphore, #tpu.memory_space<semaphore_mem>>) src(%dma_wait3A_39 : memref<632x128xf32, #tpu.memory_space<hbm>>) dst(%dma_wait3A_37 : memref<632x128xf32, #tpu.memory_space<vmem_shared>>)
      tpu.yield
    }) : () -> ()
    %barrier3A = arith.constant 0 : index
    tpu.barrier barrier_id(%barrier3A)
    %mul3A_5 = arith.constant 78 : i32
    %mul3A_6 = arith.muli %add3A, %mul3A_5 : i32
    %min3A = arith.constant 4 : i32
    %min3A_7 = arith.minsi %add3A, %min3A : i32
    %add3A_8 = arith.addi %mul3A_6, %min3A_7 : i32
    %lt3A = arith.constant 4 : i32
    %lt3A_9 = arith.cmpi slt, %add3A, %lt3A : i32
    %jit3A = arith.constant 1 : i32
    %jit3A_10 = arith.constant 0 : i32
    %select_n3A = arith.select %lt3A_9, %jit3A, %jit3A_10 : i32
    %add3A_11 = arith.constant 78 : i32
    %add3A_12 = arith.addi %add3A_11, %select_n3A : i32
    %sub3A = arith.constant 0 : i32
    %sub3A_13 = arith.subi %add3A_12, %sub3A : i32
    %sub3A_14 = arith.constant 1 : i32
    %sub3A_15 = arith.constant 1 : i32
    %sub3A_16 = arith.subi %sub3A_14, %sub3A_15 : i32
    %add3A_17 = arith.addi %sub3A_13, %sub3A_16 : i32
    %div3A = arith.constant 1 : i32
    %div3A_18 = arith.divsi %add3A_17, %div3A : i32
    %while3A = arith.constant 1 : i32
    %while3A_19 = arith.constant 0 : i32
    %while3A_20 = arith.constant 0 : i32
    %while3A_21 = arith.subi %div3A_18, %while3A_20 : i32
    %while3A_22 = arith.addi %while3A_20, %while3A_21 : i32
    %while3A_23 = arith.constant 1 : i32
    %while3A_24 = arith.divsi %while3A_21, %while3A_23 : i32
    %while3A_25 = arith.muli %while3A_24, %while3A_23 : i32
    %while3A_26 = arith.addi %while3A_20, %while3A_25 : i32
    %while3A_27 = arith.constant 1 : i32
    scf.for %while3A_34 = %while3A_20 to %while3A_26 step %while3A_27  : i32 {
      %mul3A_35 = arith.muli %while3A_34, %while3A : i32
      %add3A_36 = arith.addi %while3A_19, %mul3A_35 : i32
      %add3A_37 = arith.addi %add3A_8, %add3A_36 : i32
      %mul3A_38 = arith.constant 128 : i32
      %mul3A_39 = arith.muli %add3A_37, %mul3A_38 : i32
      "tpu.region"() ({
        %run_scoped3A = tpu.sem_alloc : memref<!tpu.dma_semaphore, #tpu.memory_space<semaphore_mem>>
        %dma_start3A_44 = tpu.memref_slice %arg3[%mul3A_39] : memref<320000xi32, #tpu.memory_space<hbm>> -> memref<128xi32, #tpu.memory_space<hbm>>
        %dma_start3A_45 = tpu.memref_slice %arg3[%mul3A_39] : memref<320000xi32, #tpu.memory_space<hbm>> -> memref<128xi32, #tpu.memory_space<hbm>>
        tpu.enqueue_dma source(%dma_start3A_45 : memref<128xi32, #tpu.memory_space<hbm>>) target(%arg7 : memref<128xi32, #tpu.memory_space<vmem>>) target_semaphore(%run_scoped3A : memref<!tpu.dma_semaphore, #tpu.memory_space<semaphore_mem>>)
        %dma_wait3A_46 = tpu.memref_slice %arg3[%mul3A_39] : memref<320000xi32, #tpu.memory_space<hbm>> -> memref<128xi32, #tpu.memory_space<hbm>>
        %dma_wait3A_47 = tpu.memref_slice %arg3[%mul3A_39] : memref<320000xi32, #tpu.memory_space<hbm>> -> memref<128xi32, #tpu.memory_space<hbm>>
        tpu.wait_dma2 semaphore(%run_scoped3A : memref<!tpu.dma_semaphore, #tpu.memory_space<semaphore_mem>>) src(%dma_wait3A_47 : memref<128xi32, #tpu.memory_space<hbm>>) dst(%arg7 : memref<128xi32, #tpu.memory_space<vmem>>)
        tpu.yield
      }) : () -> ()
      "tpu.region"() ({
        %run_scoped3A = tpu.sem_alloc : memref<!tpu.dma_semaphore, #tpu.memory_space<semaphore_mem>>
        %dma_start3A_44 = tpu.memref_slice %arg4[%mul3A_39] : memref<320000xi32, #tpu.memory_space<hbm>> -> memref<128xi32, #tpu.memory_space<hbm>>
        %dma_start3A_45 = tpu.memref_slice %arg4[%mul3A_39] : memref<320000xi32, #tpu.memory_space<hbm>> -> memref<128xi32, #tpu.memory_space<hbm>>
        tpu.enqueue_dma source(%dma_start3A_45 : memref<128xi32, #tpu.memory_space<hbm>>) target(%arg8 : memref<128xi32, #tpu.memory_space<vmem>>) target_semaphore(%run_scoped3A : memref<!tpu.dma_semaphore, #tpu.memory_space<semaphore_mem>>)
        %dma_wait3A_46 = tpu.memref_slice %arg4[%mul3A_39] : memref<320000xi32, #tpu.memory_space<hbm>> -> memref<128xi32, #tpu.memory_space<hbm>>
        %dma_wait3A_47 = tpu.memref_slice %arg4[%mul3A_39] : memref<320000xi32, #tpu.memory_space<hbm>> -> memref<128xi32, #tpu.memory_space<hbm>>
        tpu.wait_dma2 semaphore(%run_scoped3A : memref<!tpu.dma_semaphore, #tpu.memory_space<semaphore_mem>>) src(%dma_wait3A_47 : memref<128xi32, #tpu.memory_space<hbm>>) dst(%arg8 : memref<128xi32, #tpu.memory_space<vmem>>)
        tpu.yield
      }) : () -> ()
      %dma_start3A = arith.constant 0 : i32
      %dma_start3A_40 = arith.constant 0 : i32
      %dma_start3A_41 = tpu.memref_slice %arg2[%dma_start3A, %dma_start3A_40] : memref<10000x128xf32, #tpu.memory_space<hbm>> -> memref<10000x128xf32, #tpu.memory_space<hbm>>
      tpu.enqueue_indirect_dma source(%dma_start3A_41 : memref<10000x128xf32, #tpu.memory_space<hbm>>) target(%arg9 : memref<128x128xf32, #tpu.memory_space<vmem>>) offsets(%arg7 : memref<128xi32, #tpu.memory_space<vmem>>) semaphore(%arg11 : memref<!tpu.dma_semaphore, #tpu.memory_space<semaphore_mem>>)
      %dma_wait3A = arith.constant 0 : i32
      %dma_wait3A_42 = arith.constant 0 : i32
      %dma_wait3A_43 = tpu.memref_slice %arg2[%dma_wait3A, %dma_wait3A_42] : memref<10000x128xf32, #tpu.memory_space<hbm>> -> memref<10000x128xf32, #tpu.memory_space<hbm>>
      tpu.wait_indirect_dma semaphore(%arg11 : memref<!tpu.dma_semaphore, #tpu.memory_space<semaphore_mem>>) src(%dma_wait3A_43 : memref<10000x128xf32, #tpu.memory_space<hbm>>) dst(%arg9 : memref<128x128xf32, #tpu.memory_space<vmem>>)
      "tpu.region"() ({
        %run_scoped3A = tpu.sem_alloc : memref<!tpu.dma_semaphore, #tpu.memory_space<semaphore_mem>>
        %dma_start3A_44 = arith.constant 0 : i32
        %dma_start3A_45 = arith.constant 0 : i32
        %dma_start3A_46 = tpu.memref_slice %arg10[%dma_start3A_44, %dma_start3A_45] : memref<10112x128xf32, #tpu.memory_space<vmem_shared>> -> memref<10112x128xf32, #tpu.memory_space<vmem_shared>>
        tpu.enqueue_indirect_dma source(%arg9 : memref<128x128xf32, #tpu.memory_space<vmem>>) target(%dma_start3A_46 : memref<10112x128xf32, #tpu.memory_space<vmem_shared>>) offsets(%arg8 : memref<128xi32, #tpu.memory_space<vmem>>) semaphore(%run_scoped3A : memref<!tpu.dma_semaphore, #tpu.memory_space<semaphore_mem>>) {add = true}
        %dma_wait3A_47 = arith.constant 0 : i32
        %dma_wait3A_48 = arith.constant 0 : i32
        %dma_wait3A_49 = tpu.memref_slice %arg10[%dma_wait3A_47, %dma_wait3A_48] : memref<10112x128xf32, #tpu.memory_space<vmem_shared>> -> memref<10112x128xf32, #tpu.memory_space<vmem_shared>>
        tpu.wait_indirect_dma semaphore(%run_scoped3A : memref<!tpu.dma_semaphore, #tpu.memory_space<semaphore_mem>>) src(%arg9 : memref<128x128xf32, #tpu.memory_space<vmem>>) dst(%dma_wait3A_49 : memref<10112x128xf32, #tpu.memory_space<vmem_shared>>)
        tpu.yield
      }) : () -> ()
    }
    %while3A_28 = arith.constant 1 : i32
    scf.for %while3A_34 = %while3A_26 to %while3A_22 step %while3A_28  : i32 {
      %mul3A_35 = arith.muli %while3A_34, %while3A : i32
      %add3A_36 = arith.addi %while3A_19, %mul3A_35 : i32
      %add3A_37 = arith.addi %add3A_8, %add3A_36 : i32
      %mul3A_38 = arith.constant 128 : i32
      %mul3A_39 = arith.muli %add3A_37, %mul3A_38 : i32
      "tpu.region"() ({
        %run_scoped3A = tpu.sem_alloc : memref<!tpu.dma_semaphore, #tpu.memory_space<semaphore_mem>>
        %dma_start3A_44 = tpu.memref_slice %arg3[%mul3A_39] : memref<320000xi32, #tpu.memory_space<hbm>> -> memref<128xi32, #tpu.memory_space<hbm>>
        %dma_start3A_45 = tpu.memref_slice %arg3[%mul3A_39] : memref<320000xi32, #tpu.memory_space<hbm>> -> memref<128xi32, #tpu.memory_space<hbm>>
        tpu.enqueue_dma source(%dma_start3A_45 : memref<128xi32, #tpu.memory_space<hbm>>) target(%arg7 : memref<128xi32, #tpu.memory_space<vmem>>) target_semaphore(%run_scoped3A : memref<!tpu.dma_semaphore, #tpu.memory_space<semaphore_mem>>)
        %dma_wait3A_46 = tpu.memref_slice %arg3[%mul3A_39] : memref<320000xi32, #tpu.memory_space<hbm>> -> memref<128xi32, #tpu.memory_space<hbm>>
        %dma_wait3A_47 = tpu.memref_slice %arg3[%mul3A_39] : memref<320000xi32, #tpu.memory_space<hbm>> -> memref<128xi32, #tpu.memory_space<hbm>>
        tpu.wait_dma2 semaphore(%run_scoped3A : memref<!tpu.dma_semaphore, #tpu.memory_space<semaphore_mem>>) src(%dma_wait3A_47 : memref<128xi32, #tpu.memory_space<hbm>>) dst(%arg7 : memref<128xi32, #tpu.memory_space<vmem>>)
        tpu.yield
      }) : () -> ()
      "tpu.region"() ({
        %run_scoped3A = tpu.sem_alloc : memref<!tpu.dma_semaphore, #tpu.memory_space<semaphore_mem>>
        %dma_start3A_44 = tpu.memref_slice %arg4[%mul3A_39] : memref<320000xi32, #tpu.memory_space<hbm>> -> memref<128xi32, #tpu.memory_space<hbm>>
        %dma_start3A_45 = tpu.memref_slice %arg4[%mul3A_39] : memref<320000xi32, #tpu.memory_space<hbm>> -> memref<128xi32, #tpu.memory_space<hbm>>
        tpu.enqueue_dma source(%dma_start3A_45 : memref<128xi32, #tpu.memory_space<hbm>>) target(%arg8 : memref<128xi32, #tpu.memory_space<vmem>>) target_semaphore(%run_scoped3A : memref<!tpu.dma_semaphore, #tpu.memory_space<semaphore_mem>>)
        %dma_wait3A_46 = tpu.memref_slice %arg4[%mul3A_39] : memref<320000xi32, #tpu.memory_space<hbm>> -> memref<128xi32, #tpu.memory_space<hbm>>
        %dma_wait3A_47 = tpu.memref_slice %arg4[%mul3A_39] : memref<320000xi32, #tpu.memory_space<hbm>> -> memref<128xi32, #tpu.memory_space<hbm>>
        tpu.wait_dma2 semaphore(%run_scoped3A : memref<!tpu.dma_semaphore, #tpu.memory_space<semaphore_mem>>) src(%dma_wait3A_47 : memref<128xi32, #tpu.memory_space<hbm>>) dst(%arg8 : memref<128xi32, #tpu.memory_space<vmem>>)
        tpu.yield
      }) : () -> ()
      %dma_start3A = arith.constant 0 : i32
      %dma_start3A_40 = arith.constant 0 : i32
      %dma_start3A_41 = tpu.memref_slice %arg2[%dma_start3A, %dma_start3A_40] : memref<10000x128xf32, #tpu.memory_space<hbm>> -> memref<10000x128xf32, #tpu.memory_space<hbm>>
      tpu.enqueue_indirect_dma source(%dma_start3A_41 : memref<10000x128xf32, #tpu.memory_space<hbm>>) target(%arg9 : memref<128x128xf32, #tpu.memory_space<vmem>>) offsets(%arg7 : memref<128xi32, #tpu.memory_space<vmem>>) semaphore(%arg11 : memref<!tpu.dma_semaphore, #tpu.memory_space<semaphore_mem>>)
      %dma_wait3A = arith.constant 0 : i32
      %dma_wait3A_42 = arith.constant 0 : i32
      %dma_wait3A_43 = tpu.memref_slice %arg2[%dma_wait3A, %dma_wait3A_42] : memref<10000x128xf32, #tpu.memory_space<hbm>> -> memref<10000x128xf32, #tpu.memory_space<hbm>>
      tpu.wait_indirect_dma semaphore(%arg11 : memref<!tpu.dma_semaphore, #tpu.memory_space<semaphore_mem>>) src(%dma_wait3A_43 : memref<10000x128xf32, #tpu.memory_space<hbm>>) dst(%arg9 : memref<128x128xf32, #tpu.memory_space<vmem>>)
      "tpu.region"() ({
        %run_scoped3A = tpu.sem_alloc : memref<!tpu.dma_semaphore, #tpu.memory_space<semaphore_mem>>
        %dma_start3A_44 = arith.constant 0 : i32
        %dma_start3A_45 = arith.constant 0 : i32
        %dma_start3A_46 = tpu.memref_slice %arg10[%dma_start3A_44, %dma_start3A_45] : memref<10112x128xf32, #tpu.memory_space<vmem_shared>> -> memref<10112x128xf32, #tpu.memory_space<vmem_shared>>
        tpu.enqueue_indirect_dma source(%arg9 : memref<128x128xf32, #tpu.memory_space<vmem>>) target(%dma_start3A_46 : memref<10112x128xf32, #tpu.memory_space<vmem_shared>>) offsets(%arg8 : memref<128xi32, #tpu.memory_space<vmem>>) semaphore(%run_scoped3A : memref<!tpu.dma_semaphore, #tpu.memory_space<semaphore_mem>>) {add = true}
        %dma_wait3A_47 = arith.constant 0 : i32
        %dma_wait3A_48 = arith.constant 0 : i32
        %dma_wait3A_49 = tpu.memref_slice %arg10[%dma_wait3A_47, %dma_wait3A_48] : memref<10112x128xf32, #tpu.memory_space<vmem_shared>> -> memref<10112x128xf32, #tpu.memory_space<vmem_shared>>
        tpu.wait_indirect_dma semaphore(%run_scoped3A : memref<!tpu.dma_semaphore, #tpu.memory_space<semaphore_mem>>) src(%arg9 : memref<128x128xf32, #tpu.memory_space<vmem>>) dst(%dma_wait3A_49 : memref<10112x128xf32, #tpu.memory_space<vmem_shared>>)
        tpu.yield
      }) : () -> ()
    }
    %barrier3A_29 = arith.constant 0 : index
    tpu.barrier barrier_id(%barrier3A_29)
    %mul3A_30 = arith.constant 632 : i32
    %mul3A_31 = arith.muli %arg1, %mul3A_30 : i32
    %mul3A_32 = arith.constant 632 : i32
    %mul3A_33 = arith.muli %arg1, %mul3A_32 : i32
    "tpu.region"() ({
      %run_scoped3A = tpu.sem_alloc : memref<!tpu.dma_semaphore, #tpu.memory_space<semaphore_mem>>
      %dma_start3A = arith.constant 0 : i32
      %dma_start3A_34 = tpu.memref_slice %arg6[%arg0, %mul3A_33, %dma_start3A] : memref<2x10112x128xf32, #tpu.memory_space<hbm>> -> memref<1x632x128xf32, #tpu.memory_space<hbm>>
      %dma_start3A_35 = tpu.memref_squeeze %dma_start3A_34 : memref<1x632x128xf32, #tpu.memory_space<hbm>> -> memref<632x128xf32, #tpu.memory_space<hbm>>
      %dma_start3A_36 = arith.constant 0 : i32
      %dma_start3A_37 = tpu.memref_slice %arg10[%mul3A_31, %dma_start3A_36] : memref<10112x128xf32, #tpu.memory_space<vmem_shared>> -> memref<632x128xf32, #tpu.memory_space<vmem_shared>>
      tpu.enqueue_dma source(%dma_start3A_37 : memref<632x128xf32, #tpu.memory_space<vmem_shared>>) target(%dma_start3A_35 : memref<632x128xf32, #tpu.memory_space<hbm>>) target_semaphore(%run_scoped3A : memref<!tpu.dma_semaphore, #tpu.memory_space<semaphore_mem>>)
      %dma_wait3A = arith.constant 0 : i32
      %dma_wait3A_38 = tpu.memref_slice %arg6[%arg0, %mul3A_33, %dma_wait3A] : memref<2x10112x128xf32, #tpu.memory_space<hbm>> -> memref<1x632x128xf32, #tpu.memory_space<hbm>>
      %dma_wait3A_39 = tpu.memref_squeeze %dma_wait3A_38 : memref<1x632x128xf32, #tpu.memory_space<hbm>> -> memref<632x128xf32, #tpu.memory_space<hbm>>
      %dma_wait3A_40 = arith.constant 0 : i32
      %dma_wait3A_41 = tpu.memref_slice %arg10[%mul3A_31, %dma_wait3A_40] : memref<10112x128xf32, #tpu.memory_space<vmem_shared>> -> memref<632x128xf32, #tpu.memory_space<vmem_shared>>
      tpu.wait_dma2 semaphore(%run_scoped3A : memref<!tpu.dma_semaphore, #tpu.memory_space<semaphore_mem>>) src(%dma_wait3A_41 : memref<632x128xf32, #tpu.memory_space<vmem_shared>>) dst(%dma_wait3A_39 : memref<632x128xf32, #tpu.memory_space<hbm>>)
      tpu.yield
    }) : () -> ()
    return
  }
}

#map = affine_map<(d0, d1) -> (0)>
#map1 = affine_map<(d0, d1) -> (0, 0)>
#map2 = affine_map<(d0, d1) -> (0, 0, 0)>
module attributes {stable_mosaic.version = 14 : i64} {
  func.func @body(%arg0: i32, %arg1: i32, %arg2: memref<320000xi32, #tpu.memory_space<hbm>>, %arg3: memref<128x128xf32, #tpu.memory_space<hbm>>, %arg4: memref<10112x128xf32, #tpu.memory_space<hbm>>, %arg5: memref<2x10112x128xf32, #tpu.memory_space<hbm>>, %arg6: memref<128xi32, #tpu.memory_space<vmem>>, %arg7: memref<128x128xf32, #tpu.memory_space<vmem>>, %arg8: memref<10112x128xf32, #tpu.memory_space<vmem_shared>>, %arg9: memref<!tpu.dma_semaphore, #tpu.memory_space<semaphore_mem>>) attributes {dimension_semantics = [#tpu.dimension_semantics<core_parallel>, #tpu.dimension_semantics<subcore_parallel>], iteration_bounds = array<i64: 2, 16>, scalar_prefetch = 0 : i64, scratch_operands = 4 : i64, tpu.core_type = #tpu.core_type<sc_vector_subcore>, window_params = [{transform_indices = #map}, {transform_indices = #map1}, {transform_indices = #map1}, {transform_indices = #map2}]} {
    %mul3A = arith.constant 16 : i32
    %mul3A_0 = arith.muli %arg0, %mul3A : i32
    %add3A = arith.addi %mul3A_0, %arg1 : i32
    "tpu.region"() ({
      %run_scoped3A = tpu.sem_alloc : memref<!tpu.dma_semaphore, #tpu.memory_space<semaphore_mem>>
      tpu.enqueue_dma source(%arg3 : memref<128x128xf32, #tpu.memory_space<hbm>>) target(%arg7 : memref<128x128xf32, #tpu.memory_space<vmem>>) target_semaphore(%run_scoped3A : memref<!tpu.dma_semaphore, #tpu.memory_space<semaphore_mem>>)
      tpu.wait_dma2 semaphore(%run_scoped3A : memref<!tpu.dma_semaphore, #tpu.memory_space<semaphore_mem>>) src(%arg3 : memref<128x128xf32, #tpu.memory_space<hbm>>) dst(%arg7 : memref<128x128xf32, #tpu.memory_space<vmem>>)
      tpu.yield
    }) : () -> ()
    %mul3A_1 = arith.constant 632 : i32
    %mul3A_2 = arith.muli %arg1, %mul3A_1 : i32
    %mul3A_3 = arith.constant 632 : i32
    %mul3A_4 = arith.muli %arg1, %mul3A_3 : i32
    "tpu.region"() ({
      %run_scoped3A = tpu.sem_alloc : memref<!tpu.dma_semaphore, #tpu.memory_space<semaphore_mem>>
      %dma_start3A = arith.constant 0 : i32
      %dma_start3A_34 = tpu.memref_slice %arg8[%mul3A_4, %dma_start3A] : memref<10112x128xf32, #tpu.memory_space<vmem_shared>> -> memref<632x128xf32, #tpu.memory_space<vmem_shared>>
      %dma_start3A_35 = arith.constant 0 : i32
      %dma_start3A_36 = tpu.memref_slice %arg4[%mul3A_2, %dma_start3A_35] : memref<10112x128xf32, #tpu.memory_space<hbm>> -> memref<632x128xf32, #tpu.memory_space<hbm>>
      tpu.enqueue_dma source(%dma_start3A_36 : memref<632x128xf32, #tpu.memory_space<hbm>>) target(%dma_start3A_34 : memref<632x128xf32, #tpu.memory_space<vmem_shared>>) target_semaphore(%run_scoped3A : memref<!tpu.dma_semaphore, #tpu.memory_space<semaphore_mem>>)
      %dma_wait3A = arith.constant 0 : i32
      %dma_wait3A_37 = tpu.memref_slice %arg8[%mul3A_4, %dma_wait3A] : memref<10112x128xf32, #tpu.memory_space<vmem_shared>> -> memref<632x128xf32, #tpu.memory_space<vmem_shared>>
      %dma_wait3A_38 = arith.constant 0 : i32
      %dma_wait3A_39 = tpu.memref_slice %arg4[%mul3A_2, %dma_wait3A_38] : memref<10112x128xf32, #tpu.memory_space<hbm>> -> memref<632x128xf32, #tpu.memory_space<hbm>>
      tpu.wait_dma2 semaphore(%run_scoped3A : memref<!tpu.dma_semaphore, #tpu.memory_space<semaphore_mem>>) src(%dma_wait3A_39 : memref<632x128xf32, #tpu.memory_space<hbm>>) dst(%dma_wait3A_37 : memref<632x128xf32, #tpu.memory_space<vmem_shared>>)
      tpu.yield
    }) : () -> ()
    %barrier3A = arith.constant 0 : index
    tpu.barrier barrier_id(%barrier3A)
    %mul3A_5 = arith.constant 78 : i32
    %mul3A_6 = arith.muli %add3A, %mul3A_5 : i32
    %min3A = arith.constant 4 : i32
    %min3A_7 = arith.minsi %add3A, %min3A : i32
    %add3A_8 = arith.addi %mul3A_6, %min3A_7 : i32
    %lt3A = arith.constant 4 : i32
    %lt3A_9 = arith.cmpi slt, %add3A, %lt3A : i32
    %jit3A = arith.constant 1 : i32
    %jit3A_10 = arith.constant 0 : i32
    %select_n3A = arith.select %lt3A_9, %jit3A, %jit3A_10 : i32
    %add3A_11 = arith.constant 78 : i32
    %add3A_12 = arith.addi %add3A_11, %select_n3A : i32
    %sub3A = arith.constant 0 : i32
    %sub3A_13 = arith.subi %add3A_12, %sub3A : i32
    %sub3A_14 = arith.constant 1 : i32
    %sub3A_15 = arith.constant 1 : i32
    %sub3A_16 = arith.subi %sub3A_14, %sub3A_15 : i32
    %add3A_17 = arith.addi %sub3A_13, %sub3A_16 : i32
    %div3A = arith.constant 1 : i32
    %div3A_18 = arith.divsi %add3A_17, %div3A : i32
    %while3A = arith.constant 1 : i32
    %while3A_19 = arith.constant 0 : i32
    %while3A_20 = arith.constant 0 : i32
    %while3A_21 = arith.subi %div3A_18, %while3A_20 : i32
    %while3A_22 = arith.addi %while3A_20, %while3A_21 : i32
    %while3A_23 = arith.constant 1 : i32
    %while3A_24 = arith.divsi %while3A_21, %while3A_23 : i32
    %while3A_25 = arith.muli %while3A_24, %while3A_23 : i32
    %while3A_26 = arith.addi %while3A_20, %while3A_25 : i32
    %while3A_27 = arith.constant 1 : i32
    scf.for %while3A_34 = %while3A_20 to %while3A_26 step %while3A_27  : i32 {
      %mul3A_35 = arith.muli %while3A_34, %while3A : i32
      %add3A_36 = arith.addi %while3A_19, %mul3A_35 : i32
      %add3A_37 = arith.addi %add3A_8, %add3A_36 : i32
      %mul3A_38 = arith.constant 128 : i32
      %mul3A_39 = arith.muli %add3A_37, %mul3A_38 : i32
      "tpu.region"() ({
        %run_scoped3A = tpu.sem_alloc : memref<!tpu.dma_semaphore, #tpu.memory_space<semaphore_mem>>
        %dma_start3A = tpu.memref_slice %arg2[%mul3A_39] : memref<320000xi32, #tpu.memory_space<hbm>> -> memref<128xi32, #tpu.memory_space<hbm>>
        %dma_start3A_40 = tpu.memref_slice %arg2[%mul3A_39] : memref<320000xi32, #tpu.memory_space<hbm>> -> memref<128xi32, #tpu.memory_space<hbm>>
        tpu.enqueue_dma source(%dma_start3A_40 : memref<128xi32, #tpu.memory_space<hbm>>) target(%arg6 : memref<128xi32, #tpu.memory_space<vmem>>) target_semaphore(%run_scoped3A : memref<!tpu.dma_semaphore, #tpu.memory_space<semaphore_mem>>)
        %dma_wait3A = tpu.memref_slice %arg2[%mul3A_39] : memref<320000xi32, #tpu.memory_space<hbm>> -> memref<128xi32, #tpu.memory_space<hbm>>
        %dma_wait3A_41 = tpu.memref_slice %arg2[%mul3A_39] : memref<320000xi32, #tpu.memory_space<hbm>> -> memref<128xi32, #tpu.memory_space<hbm>>
        tpu.wait_dma2 semaphore(%run_scoped3A : memref<!tpu.dma_semaphore, #tpu.memory_space<semaphore_mem>>) src(%dma_wait3A_41 : memref<128xi32, #tpu.memory_space<hbm>>) dst(%arg6 : memref<128xi32, #tpu.memory_space<vmem>>)
        tpu.yield
      }) : () -> ()
      "tpu.region"() ({
        %run_scoped3A = tpu.sem_alloc : memref<!tpu.dma_semaphore, #tpu.memory_space<semaphore_mem>>
        %dma_start3A = arith.constant 0 : i32
        %dma_start3A_40 = arith.constant 0 : i32
        %dma_start3A_41 = tpu.memref_slice %arg8[%dma_start3A, %dma_start3A_40] : memref<10112x128xf32, #tpu.memory_space<vmem_shared>> -> memref<10112x128xf32, #tpu.memory_space<vmem_shared>>
        tpu.enqueue_indirect_dma source(%arg7 : memref<128x128xf32, #tpu.memory_space<vmem>>) target(%dma_start3A_41 : memref<10112x128xf32, #tpu.memory_space<vmem_shared>>) offsets(%arg6 : memref<128xi32, #tpu.memory_space<vmem>>) semaphore(%run_scoped3A : memref<!tpu.dma_semaphore, #tpu.memory_space<semaphore_mem>>) {add = true}
        %dma_wait3A = arith.constant 0 : i32
        %dma_wait3A_42 = arith.constant 0 : i32
        %dma_wait3A_43 = tpu.memref_slice %arg8[%dma_wait3A, %dma_wait3A_42] : memref<10112x128xf32, #tpu.memory_space<vmem_shared>> -> memref<10112x128xf32, #tpu.memory_space<vmem_shared>>
        tpu.wait_indirect_dma semaphore(%run_scoped3A : memref<!tpu.dma_semaphore, #tpu.memory_space<semaphore_mem>>) src(%arg7 : memref<128x128xf32, #tpu.memory_space<vmem>>) dst(%dma_wait3A_43 : memref<10112x128xf32, #tpu.memory_space<vmem_shared>>)
        tpu.yield
      }) : () -> ()
    }
    %while3A_28 = arith.constant 1 : i32
    scf.for %while3A_34 = %while3A_26 to %while3A_22 step %while3A_28  : i32 {
      %mul3A_35 = arith.muli %while3A_34, %while3A : i32
      %add3A_36 = arith.addi %while3A_19, %mul3A_35 : i32
      %add3A_37 = arith.addi %add3A_8, %add3A_36 : i32
      %mul3A_38 = arith.constant 128 : i32
      %mul3A_39 = arith.muli %add3A_37, %mul3A_38 : i32
      "tpu.region"() ({
        %run_scoped3A = tpu.sem_alloc : memref<!tpu.dma_semaphore, #tpu.memory_space<semaphore_mem>>
        %dma_start3A = tpu.memref_slice %arg2[%mul3A_39] : memref<320000xi32, #tpu.memory_space<hbm>> -> memref<128xi32, #tpu.memory_space<hbm>>
        %dma_start3A_40 = tpu.memref_slice %arg2[%mul3A_39] : memref<320000xi32, #tpu.memory_space<hbm>> -> memref<128xi32, #tpu.memory_space<hbm>>
        tpu.enqueue_dma source(%dma_start3A_40 : memref<128xi32, #tpu.memory_space<hbm>>) target(%arg6 : memref<128xi32, #tpu.memory_space<vmem>>) target_semaphore(%run_scoped3A : memref<!tpu.dma_semaphore, #tpu.memory_space<semaphore_mem>>)
        %dma_wait3A = tpu.memref_slice %arg2[%mul3A_39] : memref<320000xi32, #tpu.memory_space<hbm>> -> memref<128xi32, #tpu.memory_space<hbm>>
        %dma_wait3A_41 = tpu.memref_slice %arg2[%mul3A_39] : memref<320000xi32, #tpu.memory_space<hbm>> -> memref<128xi32, #tpu.memory_space<hbm>>
        tpu.wait_dma2 semaphore(%run_scoped3A : memref<!tpu.dma_semaphore, #tpu.memory_space<semaphore_mem>>) src(%dma_wait3A_41 : memref<128xi32, #tpu.memory_space<hbm>>) dst(%arg6 : memref<128xi32, #tpu.memory_space<vmem>>)
        tpu.yield
      }) : () -> ()
      "tpu.region"() ({
        %run_scoped3A = tpu.sem_alloc : memref<!tpu.dma_semaphore, #tpu.memory_space<semaphore_mem>>
        %dma_start3A = arith.constant 0 : i32
        %dma_start3A_40 = arith.constant 0 : i32
        %dma_start3A_41 = tpu.memref_slice %arg8[%dma_start3A, %dma_start3A_40] : memref<10112x128xf32, #tpu.memory_space<vmem_shared>> -> memref<10112x128xf32, #tpu.memory_space<vmem_shared>>
        tpu.enqueue_indirect_dma source(%arg7 : memref<128x128xf32, #tpu.memory_space<vmem>>) target(%dma_start3A_41 : memref<10112x128xf32, #tpu.memory_space<vmem_shared>>) offsets(%arg6 : memref<128xi32, #tpu.memory_space<vmem>>) semaphore(%run_scoped3A : memref<!tpu.dma_semaphore, #tpu.memory_space<semaphore_mem>>) {add = true}
        %dma_wait3A = arith.constant 0 : i32
        %dma_wait3A_42 = arith.constant 0 : i32
        %dma_wait3A_43 = tpu.memref_slice %arg8[%dma_wait3A, %dma_wait3A_42] : memref<10112x128xf32, #tpu.memory_space<vmem_shared>> -> memref<10112x128xf32, #tpu.memory_space<vmem_shared>>
        tpu.wait_indirect_dma semaphore(%run_scoped3A : memref<!tpu.dma_semaphore, #tpu.memory_space<semaphore_mem>>) src(%arg7 : memref<128x128xf32, #tpu.memory_space<vmem>>) dst(%dma_wait3A_43 : memref<10112x128xf32, #tpu.memory_space<vmem_shared>>)
        tpu.yield
      }) : () -> ()
    }
    %barrier3A_29 = arith.constant 0 : index
    tpu.barrier barrier_id(%barrier3A_29)
    %mul3A_30 = arith.constant 632 : i32
    %mul3A_31 = arith.muli %arg1, %mul3A_30 : i32
    %mul3A_32 = arith.constant 632 : i32
    %mul3A_33 = arith.muli %arg1, %mul3A_32 : i32
    "tpu.region"() ({
      %run_scoped3A = tpu.sem_alloc : memref<!tpu.dma_semaphore, #tpu.memory_space<semaphore_mem>>
      %dma_start3A = arith.constant 0 : i32
      %dma_start3A_34 = tpu.memref_slice %arg5[%arg0, %mul3A_33, %dma_start3A] : memref<2x10112x128xf32, #tpu.memory_space<hbm>> -> memref<1x632x128xf32, #tpu.memory_space<hbm>>
      %dma_start3A_35 = tpu.memref_squeeze %dma_start3A_34 : memref<1x632x128xf32, #tpu.memory_space<hbm>> -> memref<632x128xf32, #tpu.memory_space<hbm>>
      %dma_start3A_36 = arith.constant 0 : i32
      %dma_start3A_37 = tpu.memref_slice %arg8[%mul3A_31, %dma_start3A_36] : memref<10112x128xf32, #tpu.memory_space<vmem_shared>> -> memref<632x128xf32, #tpu.memory_space<vmem_shared>>
      tpu.enqueue_dma source(%dma_start3A_37 : memref<632x128xf32, #tpu.memory_space<vmem_shared>>) target(%dma_start3A_35 : memref<632x128xf32, #tpu.memory_space<hbm>>) target_semaphore(%run_scoped3A : memref<!tpu.dma_semaphore, #tpu.memory_space<semaphore_mem>>)
      %dma_wait3A = arith.constant 0 : i32
      %dma_wait3A_38 = tpu.memref_slice %arg5[%arg0, %mul3A_33, %dma_wait3A] : memref<2x10112x128xf32, #tpu.memory_space<hbm>> -> memref<1x632x128xf32, #tpu.memory_space<hbm>>
      %dma_wait3A_39 = tpu.memref_squeeze %dma_wait3A_38 : memref<1x632x128xf32, #tpu.memory_space<hbm>> -> memref<632x128xf32, #tpu.memory_space<hbm>>
      %dma_wait3A_40 = arith.constant 0 : i32
      %dma_wait3A_41 = tpu.memref_slice %arg8[%mul3A_31, %dma_wait3A_40] : memref<10112x128xf32, #tpu.memory_space<vmem_shared>> -> memref<632x128xf32, #tpu.memory_space<vmem_shared>>
      tpu.wait_dma2 semaphore(%run_scoped3A : memref<!tpu.dma_semaphore, #tpu.memory_space<semaphore_mem>>) src(%dma_wait3A_41 : memref<632x128xf32, #tpu.memory_space<vmem_shared>>) dst(%dma_wait3A_39 : memref<632x128xf32, #tpu.memory_space<hbm>>)
      tpu.yield
    }) : () -> ()
    return
  }
}

#map = affine_map<(d0, d1) -> (0, 0)>
#map1 = affine_map<(d0, d1) -> (0)>
#map2 = affine_map<(d0, d1) -> (0, 0, 0)>
module attributes {stable_mosaic.version = 14 : i64} {
  func.func @body(%arg0: i32, %arg1: i32, %arg2: memref<10000x128xf32, #tpu.memory_space<hbm>>, %arg3: memref<320000xi32, #tpu.memory_space<hbm>>, %arg4: memref<320000xi32, #tpu.memory_space<hbm>>, %arg5: memref<10112x128xf32, #tpu.memory_space<hbm>>, %arg6: memref<2x10112x128xf32, #tpu.memory_space<hbm>>, %arg7: memref<128xi32, #tpu.memory_space<vmem>>, %arg8: memref<128xi32, #tpu.memory_space<vmem>>, %arg9: memref<128x128xf32, #tpu.memory_space<vmem>>, %arg10: memref<10112x128xf32, #tpu.memory_space<vmem_shared>>, %arg11: memref<!tpu.dma_semaphore, #tpu.memory_space<semaphore_mem>>) attributes {dimension_semantics = [#tpu.dimension_semantics<core_parallel>, #tpu.dimension_semantics<subcore_parallel>], iteration_bounds = array<i64: 2, 16>, scalar_prefetch = 0 : i64, scratch_operands = 5 : i64, tpu.core_type = #tpu.core_type<sc_vector_subcore>, window_params = [{transform_indices = #map}, {transform_indices = #map1}, {transform_indices = #map1}, {transform_indices = #map}, {transform_indices = #map2}]} {
    %mul3A = arith.constant 16 : i32
    %mul3A_0 = arith.muli %arg0, %mul3A : i32
    %add3A = arith.addi %mul3A_0, %arg1 : i32
    %mul3A_1 = arith.constant 632 : i32
    %mul3A_2 = arith.muli %arg1, %mul3A_1 : i32
    %mul3A_3 = arith.constant 632 : i32
    %mul3A_4 = arith.muli %arg1, %mul3A_3 : i32
    "tpu.region"() ({
      %run_scoped3A = tpu.sem_alloc : memref<!tpu.dma_semaphore, #tpu.memory_space<semaphore_mem>>
      %dma_start3A = arith.constant 0 : i32
      %dma_start3A_34 = tpu.memref_slice %arg10[%mul3A_4, %dma_start3A] : memref<10112x128xf32, #tpu.memory_space<vmem_shared>> -> memref<632x128xf32, #tpu.memory_space<vmem_shared>>
      %dma_start3A_35 = arith.constant 0 : i32
      %dma_start3A_36 = tpu.memref_slice %arg5[%mul3A_2, %dma_start3A_35] : memref<10112x128xf32, #tpu.memory_space<hbm>> -> memref<632x128xf32, #tpu.memory_space<hbm>>
      tpu.enqueue_dma source(%dma_start3A_36 : memref<632x128xf32, #tpu.memory_space<hbm>>) target(%dma_start3A_34 : memref<632x128xf32, #tpu.memory_space<vmem_shared>>) target_semaphore(%run_scoped3A : memref<!tpu.dma_semaphore, #tpu.memory_space<semaphore_mem>>)
      %dma_wait3A = arith.constant 0 : i32
      %dma_wait3A_37 = tpu.memref_slice %arg10[%mul3A_4, %dma_wait3A] : memref<10112x128xf32, #tpu.memory_space<vmem_shared>> -> memref<632x128xf32, #tpu.memory_space<vmem_shared>>
      %dma_wait3A_38 = arith.constant 0 : i32
      %dma_wait3A_39 = tpu.memref_slice %arg5[%mul3A_2, %dma_wait3A_38] : memref<10112x128xf32, #tpu.memory_space<hbm>> -> memref<632x128xf32, #tpu.memory_space<hbm>>
      tpu.wait_dma2 semaphore(%run_scoped3A : memref<!tpu.dma_semaphore, #tpu.memory_space<semaphore_mem>>) src(%dma_wait3A_39 : memref<632x128xf32, #tpu.memory_space<hbm>>) dst(%dma_wait3A_37 : memref<632x128xf32, #tpu.memory_space<vmem_shared>>)
      tpu.yield
    }) : () -> ()
    %barrier3A = arith.constant 0 : index
    tpu.barrier barrier_id(%barrier3A)
    %mul3A_5 = arith.constant 78 : i32
    %mul3A_6 = arith.muli %add3A, %mul3A_5 : i32
    %min3A = arith.constant 4 : i32
    %min3A_7 = arith.minsi %add3A, %min3A : i32
    %add3A_8 = arith.addi %mul3A_6, %min3A_7 : i32
    %lt3A = arith.constant 4 : i32
    %lt3A_9 = arith.cmpi slt, %add3A, %lt3A : i32
    %jit3A = arith.constant 1 : i32
    %jit3A_10 = arith.constant 0 : i32
    %select_n3A = arith.select %lt3A_9, %jit3A, %jit3A_10 : i32
    %add3A_11 = arith.constant 78 : i32
    %add3A_12 = arith.addi %add3A_11, %select_n3A : i32
    %sub3A = arith.constant 0 : i32
    %sub3A_13 = arith.subi %add3A_12, %sub3A : i32
    %sub3A_14 = arith.constant 1 : i32
    %sub3A_15 = arith.constant 1 : i32
    %sub3A_16 = arith.subi %sub3A_14, %sub3A_15 : i32
    %add3A_17 = arith.addi %sub3A_13, %sub3A_16 : i32
    %div3A = arith.constant 1 : i32
    %div3A_18 = arith.divsi %add3A_17, %div3A : i32
    %while3A = arith.constant 1 : i32
    %while3A_19 = arith.constant 0 : i32
    %while3A_20 = arith.constant 0 : i32
    %while3A_21 = arith.subi %div3A_18, %while3A_20 : i32
    %while3A_22 = arith.addi %while3A_20, %while3A_21 : i32
    %while3A_23 = arith.constant 1 : i32
    %while3A_24 = arith.divsi %while3A_21, %while3A_23 : i32
    %while3A_25 = arith.muli %while3A_24, %while3A_23 : i32
    %while3A_26 = arith.addi %while3A_20, %while3A_25 : i32
    %while3A_27 = arith.constant 1 : i32
    scf.for %while3A_34 = %while3A_20 to %while3A_26 step %while3A_27  : i32 {
      %mul3A_35 = arith.muli %while3A_34, %while3A : i32
      %add3A_36 = arith.addi %while3A_19, %mul3A_35 : i32
      %add3A_37 = arith.addi %add3A_8, %add3A_36 : i32
      %mul3A_38 = arith.constant 128 : i32
      %mul3A_39 = arith.muli %add3A_37, %mul3A_38 : i32
      "tpu.region"() ({
        %run_scoped3A = tpu.sem_alloc : memref<!tpu.dma_semaphore, #tpu.memory_space<semaphore_mem>>
        %dma_start3A_44 = tpu.memref_slice %arg3[%mul3A_39] : memref<320000xi32, #tpu.memory_space<hbm>> -> memref<128xi32, #tpu.memory_space<hbm>>
        %dma_start3A_45 = tpu.memref_slice %arg3[%mul3A_39] : memref<320000xi32, #tpu.memory_space<hbm>> -> memref<128xi32, #tpu.memory_space<hbm>>
        tpu.enqueue_dma source(%dma_start3A_45 : memref<128xi32, #tpu.memory_space<hbm>>) target(%arg7 : memref<128xi32, #tpu.memory_space<vmem>>) target_semaphore(%run_scoped3A : memref<!tpu.dma_semaphore, #tpu.memory_space<semaphore_mem>>)
        %dma_wait3A_46 = tpu.memref_slice %arg3[%mul3A_39] : memref<320000xi32, #tpu.memory_space<hbm>> -> memref<128xi32, #tpu.memory_space<hbm>>
        %dma_wait3A_47 = tpu.memref_slice %arg3[%mul3A_39] : memref<320000xi32, #tpu.memory_space<hbm>> -> memref<128xi32, #tpu.memory_space<hbm>>
        tpu.wait_dma2 semaphore(%run_scoped3A : memref<!tpu.dma_semaphore, #tpu.memory_space<semaphore_mem>>) src(%dma_wait3A_47 : memref<128xi32, #tpu.memory_space<hbm>>) dst(%arg7 : memref<128xi32, #tpu.memory_space<vmem>>)
        tpu.yield
      }) : () -> ()
      "tpu.region"() ({
        %run_scoped3A = tpu.sem_alloc : memref<!tpu.dma_semaphore, #tpu.memory_space<semaphore_mem>>
        %dma_start3A_44 = tpu.memref_slice %arg4[%mul3A_39] : memref<320000xi32, #tpu.memory_space<hbm>> -> memref<128xi32, #tpu.memory_space<hbm>>
        %dma_start3A_45 = tpu.memref_slice %arg4[%mul3A_39] : memref<320000xi32, #tpu.memory_space<hbm>> -> memref<128xi32, #tpu.memory_space<hbm>>
        tpu.enqueue_dma source(%dma_start3A_45 : memref<128xi32, #tpu.memory_space<hbm>>) target(%arg8 : memref<128xi32, #tpu.memory_space<vmem>>) target_semaphore(%run_scoped3A : memref<!tpu.dma_semaphore, #tpu.memory_space<semaphore_mem>>)
        %dma_wait3A_46 = tpu.memref_slice %arg4[%mul3A_39] : memref<320000xi32, #tpu.memory_space<hbm>> -> memref<128xi32, #tpu.memory_space<hbm>>
        %dma_wait3A_47 = tpu.memref_slice %arg4[%mul3A_39] : memref<320000xi32, #tpu.memory_space<hbm>> -> memref<128xi32, #tpu.memory_space<hbm>>
        tpu.wait_dma2 semaphore(%run_scoped3A : memref<!tpu.dma_semaphore, #tpu.memory_space<semaphore_mem>>) src(%dma_wait3A_47 : memref<128xi32, #tpu.memory_space<hbm>>) dst(%arg8 : memref<128xi32, #tpu.memory_space<vmem>>)
        tpu.yield
      }) : () -> ()
      %dma_start3A = arith.constant 0 : i32
      %dma_start3A_40 = arith.constant 0 : i32
      %dma_start3A_41 = tpu.memref_slice %arg2[%dma_start3A, %dma_start3A_40] : memref<10000x128xf32, #tpu.memory_space<hbm>> -> memref<10000x128xf32, #tpu.memory_space<hbm>>
      tpu.enqueue_indirect_dma source(%dma_start3A_41 : memref<10000x128xf32, #tpu.memory_space<hbm>>) target(%arg9 : memref<128x128xf32, #tpu.memory_space<vmem>>) offsets(%arg7 : memref<128xi32, #tpu.memory_space<vmem>>) semaphore(%arg11 : memref<!tpu.dma_semaphore, #tpu.memory_space<semaphore_mem>>)
      %dma_wait3A = arith.constant 0 : i32
      %dma_wait3A_42 = arith.constant 0 : i32
      %dma_wait3A_43 = tpu.memref_slice %arg2[%dma_wait3A, %dma_wait3A_42] : memref<10000x128xf32, #tpu.memory_space<hbm>> -> memref<10000x128xf32, #tpu.memory_space<hbm>>
      tpu.wait_indirect_dma semaphore(%arg11 : memref<!tpu.dma_semaphore, #tpu.memory_space<semaphore_mem>>) src(%dma_wait3A_43 : memref<10000x128xf32, #tpu.memory_space<hbm>>) dst(%arg9 : memref<128x128xf32, #tpu.memory_space<vmem>>)
      "tpu.region"() ({
        %run_scoped3A = tpu.sem_alloc : memref<!tpu.dma_semaphore, #tpu.memory_space<semaphore_mem>>
        %dma_start3A_44 = arith.constant 0 : i32
        %dma_start3A_45 = arith.constant 0 : i32
        %dma_start3A_46 = tpu.memref_slice %arg10[%dma_start3A_44, %dma_start3A_45] : memref<10112x128xf32, #tpu.memory_space<vmem_shared>> -> memref<10112x128xf32, #tpu.memory_space<vmem_shared>>
        tpu.enqueue_indirect_dma source(%arg9 : memref<128x128xf32, #tpu.memory_space<vmem>>) target(%dma_start3A_46 : memref<10112x128xf32, #tpu.memory_space<vmem_shared>>) offsets(%arg8 : memref<128xi32, #tpu.memory_space<vmem>>) semaphore(%run_scoped3A : memref<!tpu.dma_semaphore, #tpu.memory_space<semaphore_mem>>) {add = true}
        %dma_wait3A_47 = arith.constant 0 : i32
        %dma_wait3A_48 = arith.constant 0 : i32
        %dma_wait3A_49 = tpu.memref_slice %arg10[%dma_wait3A_47, %dma_wait3A_48] : memref<10112x128xf32, #tpu.memory_space<vmem_shared>> -> memref<10112x128xf32, #tpu.memory_space<vmem_shared>>
        tpu.wait_indirect_dma semaphore(%run_scoped3A : memref<!tpu.dma_semaphore, #tpu.memory_space<semaphore_mem>>) src(%arg9 : memref<128x128xf32, #tpu.memory_space<vmem>>) dst(%dma_wait3A_49 : memref<10112x128xf32, #tpu.memory_space<vmem_shared>>)
        tpu.yield
      }) : () -> ()
    }
    %while3A_28 = arith.constant 1 : i32
    scf.for %while3A_34 = %while3A_26 to %while3A_22 step %while3A_28  : i32 {
      %mul3A_35 = arith.muli %while3A_34, %while3A : i32
      %add3A_36 = arith.addi %while3A_19, %mul3A_35 : i32
      %add3A_37 = arith.addi %add3A_8, %add3A_36 : i32
      %mul3A_38 = arith.constant 128 : i32
      %mul3A_39 = arith.muli %add3A_37, %mul3A_38 : i32
      "tpu.region"() ({
        %run_scoped3A = tpu.sem_alloc : memref<!tpu.dma_semaphore, #tpu.memory_space<semaphore_mem>>
        %dma_start3A_44 = tpu.memref_slice %arg3[%mul3A_39] : memref<320000xi32, #tpu.memory_space<hbm>> -> memref<128xi32, #tpu.memory_space<hbm>>
        %dma_start3A_45 = tpu.memref_slice %arg3[%mul3A_39] : memref<320000xi32, #tpu.memory_space<hbm>> -> memref<128xi32, #tpu.memory_space<hbm>>
        tpu.enqueue_dma source(%dma_start3A_45 : memref<128xi32, #tpu.memory_space<hbm>>) target(%arg7 : memref<128xi32, #tpu.memory_space<vmem>>) target_semaphore(%run_scoped3A : memref<!tpu.dma_semaphore, #tpu.memory_space<semaphore_mem>>)
        %dma_wait3A_46 = tpu.memref_slice %arg3[%mul3A_39] : memref<320000xi32, #tpu.memory_space<hbm>> -> memref<128xi32, #tpu.memory_space<hbm>>
        %dma_wait3A_47 = tpu.memref_slice %arg3[%mul3A_39] : memref<320000xi32, #tpu.memory_space<hbm>> -> memref<128xi32, #tpu.memory_space<hbm>>
        tpu.wait_dma2 semaphore(%run_scoped3A : memref<!tpu.dma_semaphore, #tpu.memory_space<semaphore_mem>>) src(%dma_wait3A_47 : memref<128xi32, #tpu.memory_space<hbm>>) dst(%arg7 : memref<128xi32, #tpu.memory_space<vmem>>)
        tpu.yield
      }) : () -> ()
      "tpu.region"() ({
        %run_scoped3A = tpu.sem_alloc : memref<!tpu.dma_semaphore, #tpu.memory_space<semaphore_mem>>
        %dma_start3A_44 = tpu.memref_slice %arg4[%mul3A_39] : memref<320000xi32, #tpu.memory_space<hbm>> -> memref<128xi32, #tpu.memory_space<hbm>>
        %dma_start3A_45 = tpu.memref_slice %arg4[%mul3A_39] : memref<320000xi32, #tpu.memory_space<hbm>> -> memref<128xi32, #tpu.memory_space<hbm>>
        tpu.enqueue_dma source(%dma_start3A_45 : memref<128xi32, #tpu.memory_space<hbm>>) target(%arg8 : memref<128xi32, #tpu.memory_space<vmem>>) target_semaphore(%run_scoped3A : memref<!tpu.dma_semaphore, #tpu.memory_space<semaphore_mem>>)
        %dma_wait3A_46 = tpu.memref_slice %arg4[%mul3A_39] : memref<320000xi32, #tpu.memory_space<hbm>> -> memref<128xi32, #tpu.memory_space<hbm>>
        %dma_wait3A_47 = tpu.memref_slice %arg4[%mul3A_39] : memref<320000xi32, #tpu.memory_space<hbm>> -> memref<128xi32, #tpu.memory_space<hbm>>
        tpu.wait_dma2 semaphore(%run_scoped3A : memref<!tpu.dma_semaphore, #tpu.memory_space<semaphore_mem>>) src(%dma_wait3A_47 : memref<128xi32, #tpu.memory_space<hbm>>) dst(%arg8 : memref<128xi32, #tpu.memory_space<vmem>>)
        tpu.yield
      }) : () -> ()
      %dma_start3A = arith.constant 0 : i32
      %dma_start3A_40 = arith.constant 0 : i32
      %dma_start3A_41 = tpu.memref_slice %arg2[%dma_start3A, %dma_start3A_40] : memref<10000x128xf32, #tpu.memory_space<hbm>> -> memref<10000x128xf32, #tpu.memory_space<hbm>>
      tpu.enqueue_indirect_dma source(%dma_start3A_41 : memref<10000x128xf32, #tpu.memory_space<hbm>>) target(%arg9 : memref<128x128xf32, #tpu.memory_space<vmem>>) offsets(%arg7 : memref<128xi32, #tpu.memory_space<vmem>>) semaphore(%arg11 : memref<!tpu.dma_semaphore, #tpu.memory_space<semaphore_mem>>)
      %dma_wait3A = arith.constant 0 : i32
      %dma_wait3A_42 = arith.constant 0 : i32
      %dma_wait3A_43 = tpu.memref_slice %arg2[%dma_wait3A, %dma_wait3A_42] : memref<10000x128xf32, #tpu.memory_space<hbm>> -> memref<10000x128xf32, #tpu.memory_space<hbm>>
      tpu.wait_indirect_dma semaphore(%arg11 : memref<!tpu.dma_semaphore, #tpu.memory_space<semaphore_mem>>) src(%dma_wait3A_43 : memref<10000x128xf32, #tpu.memory_space<hbm>>) dst(%arg9 : memref<128x128xf32, #tpu.memory_space<vmem>>)
      "tpu.region"() ({
        %run_scoped3A = tpu.sem_alloc : memref<!tpu.dma_semaphore, #tpu.memory_space<semaphore_mem>>
        %dma_start3A_44 = arith.constant 0 : i32
        %dma_start3A_45 = arith.constant 0 : i32
        %dma_start3A_46 = tpu.memref_slice %arg10[%dma_start3A_44, %dma_start3A_45] : memref<10112x128xf32, #tpu.memory_space<vmem_shared>> -> memref<10112x128xf32, #tpu.memory_space<vmem_shared>>
        tpu.enqueue_indirect_dma source(%arg9 : memref<128x128xf32, #tpu.memory_space<vmem>>) target(%dma_start3A_46 : memref<10112x128xf32, #tpu.memory_space<vmem_shared>>) offsets(%arg8 : memref<128xi32, #tpu.memory_space<vmem>>) semaphore(%run_scoped3A : memref<!tpu.dma_semaphore, #tpu.memory_space<semaphore_mem>>) {add = true}
        %dma_wait3A_47 = arith.constant 0 : i32
        %dma_wait3A_48 = arith.constant 0 : i32
        %dma_wait3A_49 = tpu.memref_slice %arg10[%dma_wait3A_47, %dma_wait3A_48] : memref<10112x128xf32, #tpu.memory_space<vmem_shared>> -> memref<10112x128xf32, #tpu.memory_space<vmem_shared>>
        tpu.wait_indirect_dma semaphore(%run_scoped3A : memref<!tpu.dma_semaphore, #tpu.memory_space<semaphore_mem>>) src(%arg9 : memref<128x128xf32, #tpu.memory_space<vmem>>) dst(%dma_wait3A_49 : memref<10112x128xf32, #tpu.memory_space<vmem_shared>>)
        tpu.yield
      }) : () -> ()
    }
    %barrier3A_29 = arith.constant 0 : index
    tpu.barrier barrier_id(%barrier3A_29)
    %mul3A_30 = arith.constant 632 : i32
    %mul3A_31 = arith.muli %arg1, %mul3A_30 : i32
    %mul3A_32 = arith.constant 632 : i32
    %mul3A_33 = arith.muli %arg1, %mul3A_32 : i32
    "tpu.region"() ({
      %run_scoped3A = tpu.sem_alloc : memref<!tpu.dma_semaphore, #tpu.memory_space<semaphore_mem>>
      %dma_start3A = arith.constant 0 : i32
      %dma_start3A_34 = tpu.memref_slice %arg6[%arg0, %mul3A_33, %dma_start3A] : memref<2x10112x128xf32, #tpu.memory_space<hbm>> -> memref<1x632x128xf32, #tpu.memory_space<hbm>>
      %dma_start3A_35 = tpu.memref_squeeze %dma_start3A_34 : memref<1x632x128xf32, #tpu.memory_space<hbm>> -> memref<632x128xf32, #tpu.memory_space<hbm>>
      %dma_start3A_36 = arith.constant 0 : i32
      %dma_start3A_37 = tpu.memref_slice %arg10[%mul3A_31, %dma_start3A_36] : memref<10112x128xf32, #tpu.memory_space<vmem_shared>> -> memref<632x128xf32, #tpu.memory_space<vmem_shared>>
      tpu.enqueue_dma source(%dma_start3A_37 : memref<632x128xf32, #tpu.memory_space<vmem_shared>>) target(%dma_start3A_35 : memref<632x128xf32, #tpu.memory_space<hbm>>) target_semaphore(%run_scoped3A : memref<!tpu.dma_semaphore, #tpu.memory_space<semaphore_mem>>)
      %dma_wait3A = arith.constant 0 : i32
      %dma_wait3A_38 = tpu.memref_slice %arg6[%arg0, %mul3A_33, %dma_wait3A] : memref<2x10112x128xf32, #tpu.memory_space<hbm>> -> memref<1x632x128xf32, #tpu.memory_space<hbm>>
      %dma_wait3A_39 = tpu.memref_squeeze %dma_wait3A_38 : memref<1x632x128xf32, #tpu.memory_space<hbm>> -> memref<632x128xf32, #tpu.memory_space<hbm>>
      %dma_wait3A_40 = arith.constant 0 : i32
      %dma_wait3A_41 = tpu.memref_slice %arg10[%mul3A_31, %dma_wait3A_40] : memref<10112x128xf32, #tpu.memory_space<vmem_shared>> -> memref<632x128xf32, #tpu.memory_space<vmem_shared>>
      tpu.wait_dma2 semaphore(%run_scoped3A : memref<!tpu.dma_semaphore, #tpu.memory_space<semaphore_mem>>) src(%dma_wait3A_41 : memref<632x128xf32, #tpu.memory_space<vmem_shared>>) dst(%dma_wait3A_39 : memref<632x128xf32, #tpu.memory_space<hbm>>)
      tpu.yield
    }) : () -> ()
    return
  }
}

#map = affine_map<(d0, d1) -> (0, 0)>
#map1 = affine_map<(d0, d1) -> (0)>
#map2 = affine_map<(d0, d1) -> (0, 0, 0)>
module attributes {stable_mosaic.version = 14 : i64} {
  func.func @body(%arg0: i32, %arg1: i32, %arg2: memref<10000x128xf32, #tpu.memory_space<hbm>>, %arg3: memref<320000xi32, #tpu.memory_space<hbm>>, %arg4: memref<320000xi32, #tpu.memory_space<hbm>>, %arg5: memref<10112x128xf32, #tpu.memory_space<hbm>>, %arg6: memref<2x10112x128xf32, #tpu.memory_space<hbm>>, %arg7: memref<128xi32, #tpu.memory_space<vmem>>, %arg8: memref<128xi32, #tpu.memory_space<vmem>>, %arg9: memref<128x128xf32, #tpu.memory_space<vmem>>, %arg10: memref<10112x128xf32, #tpu.memory_space<vmem_shared>>, %arg11: memref<!tpu.dma_semaphore, #tpu.memory_space<semaphore_mem>>) attributes {dimension_semantics = [#tpu.dimension_semantics<core_parallel>, #tpu.dimension_semantics<subcore_parallel>], iteration_bounds = array<i64: 2, 16>, scalar_prefetch = 0 : i64, scratch_operands = 5 : i64, tpu.core_type = #tpu.core_type<sc_vector_subcore>, window_params = [{transform_indices = #map}, {transform_indices = #map1}, {transform_indices = #map1}, {transform_indices = #map}, {transform_indices = #map2}]} {
    %mul3A = arith.constant 16 : i32
    %mul3A_0 = arith.muli %arg0, %mul3A : i32
    %add3A = arith.addi %mul3A_0, %arg1 : i32
    %mul3A_1 = arith.constant 632 : i32
    %mul3A_2 = arith.muli %arg1, %mul3A_1 : i32
    %mul3A_3 = arith.constant 632 : i32
    %mul3A_4 = arith.muli %arg1, %mul3A_3 : i32
    "tpu.region"() ({
      %run_scoped3A = tpu.sem_alloc : memref<!tpu.dma_semaphore, #tpu.memory_space<semaphore_mem>>
      %dma_start3A = arith.constant 0 : i32
      %dma_start3A_34 = tpu.memref_slice %arg10[%mul3A_4, %dma_start3A] : memref<10112x128xf32, #tpu.memory_space<vmem_shared>> -> memref<632x128xf32, #tpu.memory_space<vmem_shared>>
      %dma_start3A_35 = arith.constant 0 : i32
      %dma_start3A_36 = tpu.memref_slice %arg5[%mul3A_2, %dma_start3A_35] : memref<10112x128xf32, #tpu.memory_space<hbm>> -> memref<632x128xf32, #tpu.memory_space<hbm>>
      tpu.enqueue_dma source(%dma_start3A_36 : memref<632x128xf32, #tpu.memory_space<hbm>>) target(%dma_start3A_34 : memref<632x128xf32, #tpu.memory_space<vmem_shared>>) target_semaphore(%run_scoped3A : memref<!tpu.dma_semaphore, #tpu.memory_space<semaphore_mem>>)
      %dma_wait3A = arith.constant 0 : i32
      %dma_wait3A_37 = tpu.memref_slice %arg10[%mul3A_4, %dma_wait3A] : memref<10112x128xf32, #tpu.memory_space<vmem_shared>> -> memref<632x128xf32, #tpu.memory_space<vmem_shared>>
      %dma_wait3A_38 = arith.constant 0 : i32
      %dma_wait3A_39 = tpu.memref_slice %arg5[%mul3A_2, %dma_wait3A_38] : memref<10112x128xf32, #tpu.memory_space<hbm>> -> memref<632x128xf32, #tpu.memory_space<hbm>>
      tpu.wait_dma2 semaphore(%run_scoped3A : memref<!tpu.dma_semaphore, #tpu.memory_space<semaphore_mem>>) src(%dma_wait3A_39 : memref<632x128xf32, #tpu.memory_space<hbm>>) dst(%dma_wait3A_37 : memref<632x128xf32, #tpu.memory_space<vmem_shared>>)
      tpu.yield
    }) : () -> ()
    %barrier3A = arith.constant 0 : index
    tpu.barrier barrier_id(%barrier3A)
    %mul3A_5 = arith.constant 78 : i32
    %mul3A_6 = arith.muli %add3A, %mul3A_5 : i32
    %min3A = arith.constant 4 : i32
    %min3A_7 = arith.minsi %add3A, %min3A : i32
    %add3A_8 = arith.addi %mul3A_6, %min3A_7 : i32
    %lt3A = arith.constant 4 : i32
    %lt3A_9 = arith.cmpi slt, %add3A, %lt3A : i32
    %jit3A = arith.constant 1 : i32
    %jit3A_10 = arith.constant 0 : i32
    %select_n3A = arith.select %lt3A_9, %jit3A, %jit3A_10 : i32
    %add3A_11 = arith.constant 78 : i32
    %add3A_12 = arith.addi %add3A_11, %select_n3A : i32
    %sub3A = arith.constant 0 : i32
    %sub3A_13 = arith.subi %add3A_12, %sub3A : i32
    %sub3A_14 = arith.constant 1 : i32
    %sub3A_15 = arith.constant 1 : i32
    %sub3A_16 = arith.subi %sub3A_14, %sub3A_15 : i32
    %add3A_17 = arith.addi %sub3A_13, %sub3A_16 : i32
    %div3A = arith.constant 1 : i32
    %div3A_18 = arith.divsi %add3A_17, %div3A : i32
    %while3A = arith.constant 1 : i32
    %while3A_19 = arith.constant 0 : i32
    %while3A_20 = arith.constant 0 : i32
    %while3A_21 = arith.subi %div3A_18, %while3A_20 : i32
    %while3A_22 = arith.addi %while3A_20, %while3A_21 : i32
    %while3A_23 = arith.constant 1 : i32
    %while3A_24 = arith.divsi %while3A_21, %while3A_23 : i32
    %while3A_25 = arith.muli %while3A_24, %while3A_23 : i32
    %while3A_26 = arith.addi %while3A_20, %while3A_25 : i32
    %while3A_27 = arith.constant 1 : i32
    scf.for %while3A_34 = %while3A_20 to %while3A_26 step %while3A_27  : i32 {
      %mul3A_35 = arith.muli %while3A_34, %while3A : i32
      %add3A_36 = arith.addi %while3A_19, %mul3A_35 : i32
      %add3A_37 = arith.addi %add3A_8, %add3A_36 : i32
      %mul3A_38 = arith.constant 128 : i32
      %mul3A_39 = arith.muli %add3A_37, %mul3A_38 : i32
      "tpu.region"() ({
        %run_scoped3A = tpu.sem_alloc : memref<!tpu.dma_semaphore, #tpu.memory_space<semaphore_mem>>
        %dma_start3A_44 = tpu.memref_slice %arg3[%mul3A_39] : memref<320000xi32, #tpu.memory_space<hbm>> -> memref<128xi32, #tpu.memory_space<hbm>>
        %dma_start3A_45 = tpu.memref_slice %arg3[%mul3A_39] : memref<320000xi32, #tpu.memory_space<hbm>> -> memref<128xi32, #tpu.memory_space<hbm>>
        tpu.enqueue_dma source(%dma_start3A_45 : memref<128xi32, #tpu.memory_space<hbm>>) target(%arg7 : memref<128xi32, #tpu.memory_space<vmem>>) target_semaphore(%run_scoped3A : memref<!tpu.dma_semaphore, #tpu.memory_space<semaphore_mem>>)
        %dma_wait3A_46 = tpu.memref_slice %arg3[%mul3A_39] : memref<320000xi32, #tpu.memory_space<hbm>> -> memref<128xi32, #tpu.memory_space<hbm>>
        %dma_wait3A_47 = tpu.memref_slice %arg3[%mul3A_39] : memref<320000xi32, #tpu.memory_space<hbm>> -> memref<128xi32, #tpu.memory_space<hbm>>
        tpu.wait_dma2 semaphore(%run_scoped3A : memref<!tpu.dma_semaphore, #tpu.memory_space<semaphore_mem>>) src(%dma_wait3A_47 : memref<128xi32, #tpu.memory_space<hbm>>) dst(%arg7 : memref<128xi32, #tpu.memory_space<vmem>>)
        tpu.yield
      }) : () -> ()
      "tpu.region"() ({
        %run_scoped3A = tpu.sem_alloc : memref<!tpu.dma_semaphore, #tpu.memory_space<semaphore_mem>>
        %dma_start3A_44 = tpu.memref_slice %arg4[%mul3A_39] : memref<320000xi32, #tpu.memory_space<hbm>> -> memref<128xi32, #tpu.memory_space<hbm>>
        %dma_start3A_45 = tpu.memref_slice %arg4[%mul3A_39] : memref<320000xi32, #tpu.memory_space<hbm>> -> memref<128xi32, #tpu.memory_space<hbm>>
        tpu.enqueue_dma source(%dma_start3A_45 : memref<128xi32, #tpu.memory_space<hbm>>) target(%arg8 : memref<128xi32, #tpu.memory_space<vmem>>) target_semaphore(%run_scoped3A : memref<!tpu.dma_semaphore, #tpu.memory_space<semaphore_mem>>)
        %dma_wait3A_46 = tpu.memref_slice %arg4[%mul3A_39] : memref<320000xi32, #tpu.memory_space<hbm>> -> memref<128xi32, #tpu.memory_space<hbm>>
        %dma_wait3A_47 = tpu.memref_slice %arg4[%mul3A_39] : memref<320000xi32, #tpu.memory_space<hbm>> -> memref<128xi32, #tpu.memory_space<hbm>>
        tpu.wait_dma2 semaphore(%run_scoped3A : memref<!tpu.dma_semaphore, #tpu.memory_space<semaphore_mem>>) src(%dma_wait3A_47 : memref<128xi32, #tpu.memory_space<hbm>>) dst(%arg8 : memref<128xi32, #tpu.memory_space<vmem>>)
        tpu.yield
      }) : () -> ()
      %dma_start3A = arith.constant 0 : i32
      %dma_start3A_40 = arith.constant 0 : i32
      %dma_start3A_41 = tpu.memref_slice %arg2[%dma_start3A, %dma_start3A_40] : memref<10000x128xf32, #tpu.memory_space<hbm>> -> memref<10000x128xf32, #tpu.memory_space<hbm>>
      tpu.enqueue_indirect_dma source(%dma_start3A_41 : memref<10000x128xf32, #tpu.memory_space<hbm>>) target(%arg9 : memref<128x128xf32, #tpu.memory_space<vmem>>) offsets(%arg7 : memref<128xi32, #tpu.memory_space<vmem>>) semaphore(%arg11 : memref<!tpu.dma_semaphore, #tpu.memory_space<semaphore_mem>>)
      %dma_wait3A = arith.constant 0 : i32
      %dma_wait3A_42 = arith.constant 0 : i32
      %dma_wait3A_43 = tpu.memref_slice %arg2[%dma_wait3A, %dma_wait3A_42] : memref<10000x128xf32, #tpu.memory_space<hbm>> -> memref<10000x128xf32, #tpu.memory_space<hbm>>
      tpu.wait_indirect_dma semaphore(%arg11 : memref<!tpu.dma_semaphore, #tpu.memory_space<semaphore_mem>>) src(%dma_wait3A_43 : memref<10000x128xf32, #tpu.memory_space<hbm>>) dst(%arg9 : memref<128x128xf32, #tpu.memory_space<vmem>>)
      "tpu.region"() ({
        %run_scoped3A = tpu.sem_alloc : memref<!tpu.dma_semaphore, #tpu.memory_space<semaphore_mem>>
        %dma_start3A_44 = arith.constant 0 : i32
        %dma_start3A_45 = arith.constant 0 : i32
        %dma_start3A_46 = tpu.memref_slice %arg10[%dma_start3A_44, %dma_start3A_45] : memref<10112x128xf32, #tpu.memory_space<vmem_shared>> -> memref<10112x128xf32, #tpu.memory_space<vmem_shared>>
        tpu.enqueue_indirect_dma source(%arg9 : memref<128x128xf32, #tpu.memory_space<vmem>>) target(%dma_start3A_46 : memref<10112x128xf32, #tpu.memory_space<vmem_shared>>) offsets(%arg8 : memref<128xi32, #tpu.memory_space<vmem>>) semaphore(%run_scoped3A : memref<!tpu.dma_semaphore, #tpu.memory_space<semaphore_mem>>) {add = true}
        %dma_wait3A_47 = arith.constant 0 : i32
        %dma_wait3A_48 = arith.constant 0 : i32
        %dma_wait3A_49 = tpu.memref_slice %arg10[%dma_wait3A_47, %dma_wait3A_48] : memref<10112x128xf32, #tpu.memory_space<vmem_shared>> -> memref<10112x128xf32, #tpu.memory_space<vmem_shared>>
        tpu.wait_indirect_dma semaphore(%run_scoped3A : memref<!tpu.dma_semaphore, #tpu.memory_space<semaphore_mem>>) src(%arg9 : memref<128x128xf32, #tpu.memory_space<vmem>>) dst(%dma_wait3A_49 : memref<10112x128xf32, #tpu.memory_space<vmem_shared>>)
        tpu.yield
      }) : () -> ()
    }
    %while3A_28 = arith.constant 1 : i32
    scf.for %while3A_34 = %while3A_26 to %while3A_22 step %while3A_28  : i32 {
      %mul3A_35 = arith.muli %while3A_34, %while3A : i32
      %add3A_36 = arith.addi %while3A_19, %mul3A_35 : i32
      %add3A_37 = arith.addi %add3A_8, %add3A_36 : i32
      %mul3A_38 = arith.constant 128 : i32
      %mul3A_39 = arith.muli %add3A_37, %mul3A_38 : i32
      "tpu.region"() ({
        %run_scoped3A = tpu.sem_alloc : memref<!tpu.dma_semaphore, #tpu.memory_space<semaphore_mem>>
        %dma_start3A_44 = tpu.memref_slice %arg3[%mul3A_39] : memref<320000xi32, #tpu.memory_space<hbm>> -> memref<128xi32, #tpu.memory_space<hbm>>
        %dma_start3A_45 = tpu.memref_slice %arg3[%mul3A_39] : memref<320000xi32, #tpu.memory_space<hbm>> -> memref<128xi32, #tpu.memory_space<hbm>>
        tpu.enqueue_dma source(%dma_start3A_45 : memref<128xi32, #tpu.memory_space<hbm>>) target(%arg7 : memref<128xi32, #tpu.memory_space<vmem>>) target_semaphore(%run_scoped3A : memref<!tpu.dma_semaphore, #tpu.memory_space<semaphore_mem>>)
        %dma_wait3A_46 = tpu.memref_slice %arg3[%mul3A_39] : memref<320000xi32, #tpu.memory_space<hbm>> -> memref<128xi32, #tpu.memory_space<hbm>>
        %dma_wait3A_47 = tpu.memref_slice %arg3[%mul3A_39] : memref<320000xi32, #tpu.memory_space<hbm>> -> memref<128xi32, #tpu.memory_space<hbm>>
        tpu.wait_dma2 semaphore(%run_scoped3A : memref<!tpu.dma_semaphore, #tpu.memory_space<semaphore_mem>>) src(%dma_wait3A_47 : memref<128xi32, #tpu.memory_space<hbm>>) dst(%arg7 : memref<128xi32, #tpu.memory_space<vmem>>)
        tpu.yield
      }) : () -> ()
      "tpu.region"() ({
        %run_scoped3A = tpu.sem_alloc : memref<!tpu.dma_semaphore, #tpu.memory_space<semaphore_mem>>
        %dma_start3A_44 = tpu.memref_slice %arg4[%mul3A_39] : memref<320000xi32, #tpu.memory_space<hbm>> -> memref<128xi32, #tpu.memory_space<hbm>>
        %dma_start3A_45 = tpu.memref_slice %arg4[%mul3A_39] : memref<320000xi32, #tpu.memory_space<hbm>> -> memref<128xi32, #tpu.memory_space<hbm>>
        tpu.enqueue_dma source(%dma_start3A_45 : memref<128xi32, #tpu.memory_space<hbm>>) target(%arg8 : memref<128xi32, #tpu.memory_space<vmem>>) target_semaphore(%run_scoped3A : memref<!tpu.dma_semaphore, #tpu.memory_space<semaphore_mem>>)
        %dma_wait3A_46 = tpu.memref_slice %arg4[%mul3A_39] : memref<320000xi32, #tpu.memory_space<hbm>> -> memref<128xi32, #tpu.memory_space<hbm>>
        %dma_wait3A_47 = tpu.memref_slice %arg4[%mul3A_39] : memref<320000xi32, #tpu.memory_space<hbm>> -> memref<128xi32, #tpu.memory_space<hbm>>
        tpu.wait_dma2 semaphore(%run_scoped3A : memref<!tpu.dma_semaphore, #tpu.memory_space<semaphore_mem>>) src(%dma_wait3A_47 : memref<128xi32, #tpu.memory_space<hbm>>) dst(%arg8 : memref<128xi32, #tpu.memory_space<vmem>>)
        tpu.yield
      }) : () -> ()
      %dma_start3A = arith.constant 0 : i32
      %dma_start3A_40 = arith.constant 0 : i32
      %dma_start3A_41 = tpu.memref_slice %arg2[%dma_start3A, %dma_start3A_40] : memref<10000x128xf32, #tpu.memory_space<hbm>> -> memref<10000x128xf32, #tpu.memory_space<hbm>>
      tpu.enqueue_indirect_dma source(%dma_start3A_41 : memref<10000x128xf32, #tpu.memory_space<hbm>>) target(%arg9 : memref<128x128xf32, #tpu.memory_space<vmem>>) offsets(%arg7 : memref<128xi32, #tpu.memory_space<vmem>>) semaphore(%arg11 : memref<!tpu.dma_semaphore, #tpu.memory_space<semaphore_mem>>)
      %dma_wait3A = arith.constant 0 : i32
      %dma_wait3A_42 = arith.constant 0 : i32
      %dma_wait3A_43 = tpu.memref_slice %arg2[%dma_wait3A, %dma_wait3A_42] : memref<10000x128xf32, #tpu.memory_space<hbm>> -> memref<10000x128xf32, #tpu.memory_space<hbm>>
      tpu.wait_indirect_dma semaphore(%arg11 : memref<!tpu.dma_semaphore, #tpu.memory_space<semaphore_mem>>) src(%dma_wait3A_43 : memref<10000x128xf32, #tpu.memory_space<hbm>>) dst(%arg9 : memref<128x128xf32, #tpu.memory_space<vmem>>)
      "tpu.region"() ({
        %run_scoped3A = tpu.sem_alloc : memref<!tpu.dma_semaphore, #tpu.memory_space<semaphore_mem>>
        %dma_start3A_44 = arith.constant 0 : i32
        %dma_start3A_45 = arith.constant 0 : i32
        %dma_start3A_46 = tpu.memref_slice %arg10[%dma_start3A_44, %dma_start3A_45] : memref<10112x128xf32, #tpu.memory_space<vmem_shared>> -> memref<10112x128xf32, #tpu.memory_space<vmem_shared>>
        tpu.enqueue_indirect_dma source(%arg9 : memref<128x128xf32, #tpu.memory_space<vmem>>) target(%dma_start3A_46 : memref<10112x128xf32, #tpu.memory_space<vmem_shared>>) offsets(%arg8 : memref<128xi32, #tpu.memory_space<vmem>>) semaphore(%run_scoped3A : memref<!tpu.dma_semaphore, #tpu.memory_space<semaphore_mem>>) {add = true}
        %dma_wait3A_47 = arith.constant 0 : i32
        %dma_wait3A_48 = arith.constant 0 : i32
        %dma_wait3A_49 = tpu.memref_slice %arg10[%dma_wait3A_47, %dma_wait3A_48] : memref<10112x128xf32, #tpu.memory_space<vmem_shared>> -> memref<10112x128xf32, #tpu.memory_space<vmem_shared>>
        tpu.wait_indirect_dma semaphore(%run_scoped3A : memref<!tpu.dma_semaphore, #tpu.memory_space<semaphore_mem>>) src(%arg9 : memref<128x128xf32, #tpu.memory_space<vmem>>) dst(%dma_wait3A_49 : memref<10112x128xf32, #tpu.memory_space<vmem_shared>>)
        tpu.yield
      }) : () -> ()
    }
    %barrier3A_29 = arith.constant 0 : index
    tpu.barrier barrier_id(%barrier3A_29)
    %mul3A_30 = arith.constant 632 : i32
    %mul3A_31 = arith.muli %arg1, %mul3A_30 : i32
    %mul3A_32 = arith.constant 632 : i32
    %mul3A_33 = arith.muli %arg1, %mul3A_32 : i32
    "tpu.region"() ({
      %run_scoped3A = tpu.sem_alloc : memref<!tpu.dma_semaphore, #tpu.memory_space<semaphore_mem>>
      %dma_start3A = arith.constant 0 : i32
      %dma_start3A_34 = tpu.memref_slice %arg6[%arg0, %mul3A_33, %dma_start3A] : memref<2x10112x128xf32, #tpu.memory_space<hbm>> -> memref<1x632x128xf32, #tpu.memory_space<hbm>>
      %dma_start3A_35 = tpu.memref_squeeze %dma_start3A_34 : memref<1x632x128xf32, #tpu.memory_space<hbm>> -> memref<632x128xf32, #tpu.memory_space<hbm>>
      %dma_start3A_36 = arith.constant 0 : i32
      %dma_start3A_37 = tpu.memref_slice %arg10[%mul3A_31, %dma_start3A_36] : memref<10112x128xf32, #tpu.memory_space<vmem_shared>> -> memref<632x128xf32, #tpu.memory_space<vmem_shared>>
      tpu.enqueue_dma source(%dma_start3A_37 : memref<632x128xf32, #tpu.memory_space<vmem_shared>>) target(%dma_start3A_35 : memref<632x128xf32, #tpu.memory_space<hbm>>) target_semaphore(%run_scoped3A : memref<!tpu.dma_semaphore, #tpu.memory_space<semaphore_mem>>)
      %dma_wait3A = arith.constant 0 : i32
      %dma_wait3A_38 = tpu.memref_slice %arg6[%arg0, %mul3A_33, %dma_wait3A] : memref<2x10112x128xf32, #tpu.memory_space<hbm>> -> memref<1x632x128xf32, #tpu.memory_space<hbm>>
      %dma_wait3A_39 = tpu.memref_squeeze %dma_wait3A_38 : memref<1x632x128xf32, #tpu.memory_space<hbm>> -> memref<632x128xf32, #tpu.memory_space<hbm>>
      %dma_wait3A_40 = arith.constant 0 : i32
      %dma_wait3A_41 = tpu.memref_slice %arg10[%mul3A_31, %dma_wait3A_40] : memref<10112x128xf32, #tpu.memory_space<vmem_shared>> -> memref<632x128xf32, #tpu.memory_space<vmem_shared>>
      tpu.wait_dma2 semaphore(%run_scoped3A : memref<!tpu.dma_semaphore, #tpu.memory_space<semaphore_mem>>) src(%dma_wait3A_41 : memref<632x128xf32, #tpu.memory_space<vmem_shared>>) dst(%dma_wait3A_39 : memref<632x128xf32, #tpu.memory_space<hbm>>)
      tpu.yield
    }) : () -> ()
    return
  }
}

module attributes {stable_mosaic.version = 14 : i64} {
  func.func @body(%arg0: i32, %arg1: memref<2x2000x128xf32, #tpu.memory_space<vmem>>, %arg2: memref<2000x128xf32, #tpu.memory_space<vmem>>, %arg3: memref<128x128xf32, #tpu.memory_space<vmem>>, %arg4: memref<2000x128xf32, #tpu.memory_space<vmem>>, %arg5: memref<2000x128xf32, #tpu.memory_space<vmem>>, %arg6: memref<2000x1xf32, #tpu.memory_space<vmem>>, %arg7: memref<2000x1xf32, #tpu.memory_space<vmem>>) attributes {dimension_semantics = [#tpu.dimension_semantics<arbitrary>], iteration_bounds = array<i64: 5>, scalar_prefetch = 0 : i64, scratch_operands = 0 : i64, tpu.core_type = #tpu.core_type<tc>, window_params = [{transform_indices = @transform_0, window_bounds = array<i64: 2, 2000, 128>}, {transform_indices = @transform_1, window_bounds = array<i64: 2000, 128>}, {pipeline_mode = #tpu.pipeline_mode<synchronous>, transform_indices = @transform_2, window_bounds = array<i64: 128, 128>}, {transform_indices = @transform_3, window_bounds = array<i64: 2000, 128>}, {transform_indices = @transform_4, window_bounds = array<i64: 2000, 128>}, {transform_indices = @transform_5, window_bounds = array<i64: 2000, 1>}, {transform_indices = @transform_6, window_bounds = array<i64: 2000, 1>}]} {
    %get3A = arith.constant 0 : index
    %get3A_0 = arith.constant 0 : index
    %get3A_1 = arith.constant 0 : index
    %get3A_2 = vector.load %arg1[%get3A, %get3A_0, %get3A_1] : memref<2x2000x128xf32, #tpu.memory_space<vmem>>, vector<1x2000x128xf32>
    %get3A_3 = vector.shape_cast %get3A_2 : vector<1x2000x128xf32> to vector<2000x128xf32>
    %slice3A = vector.extract_strided_slice %get3A_3 {offsets = [0, 0], sizes = [2000, 1], strides = [1, 1]} : vector<2000x128xf32> to vector<2000x1xf32>
    %get3A_4 = arith.constant 1 : index
    %get3A_5 = arith.constant 0 : index
    %get3A_6 = arith.constant 0 : index
    %get3A_7 = vector.load %arg1[%get3A_4, %get3A_5, %get3A_6] : memref<2x2000x128xf32, #tpu.memory_space<vmem>>, vector<1x2000x128xf32>
    %get3A_8 = vector.shape_cast %get3A_7 : vector<1x2000x128xf32> to vector<2000x128xf32>
    %slice3A_9 = vector.extract_strided_slice %get3A_8 {offsets = [0, 0], sizes = [2000, 1], strides = [1, 1]} : vector<2000x128xf32> to vector<2000x1xf32>
    %add3A = arith.addf %slice3A, %slice3A_9 : vector<2000x1xf32>
    %add3A_10 = arith.constant 1.000000e+00 : f32
    %add3A_11 = vector.broadcast %add3A_10 : f32 to vector<2000x1xf32>
    %add3A_12 = arith.addf %add3A, %add3A_11 : vector<2000x1xf32>
    %rsqrt3A = math.rsqrt %add3A_12 : vector<2000x1xf32>
    %max3A = arith.constant 1.000000e+00 : f32
    %max3A_13 = vector.broadcast %max3A : f32 to vector<2000x1xf32>
    %max3A_14 = arith.maximumf %add3A, %max3A_13 : vector<2000x1xf32>
    %div3A = arith.constant 1.000000e+00 : f32
    %div3A_15 = vector.broadcast %div3A : f32 to vector<2000x1xf32>
    %div3A_16 = arith.divf %div3A_15, %max3A_14 : vector<2000x1xf32>
    %get3A_17 = arith.constant 0 : index
    %get3A_18 = arith.constant 0 : index
    %get3A_19 = vector.load %arg2[%get3A_17, %get3A_18] : memref<2000x128xf32, #tpu.memory_space<vmem>>, vector<2000x128xf32>
    %get3A_20 = arith.constant 0 : index
    %get3A_21 = arith.constant 0 : index
    %get3A_22 = vector.load %arg3[%get3A_20, %get3A_21] : memref<128x128xf32, #tpu.memory_space<vmem>>, vector<128x128xf32>
    %dot_general3A = arith.constant dense<0.000000e+00> : vector<2000x128xf32>
    %dot_general3A_23 = tpu.matmul %get3A_19, %get3A_22, %dot_general3A {dimension_numbers = #tpu.dot_dimension_numbers<[1], [0], [0], [1], [0, 0, 1, 1], [], []>, transpose_lhs_hint = false} : vector<2000x128xf32>, vector<128x128xf32>, vector<2000x128xf32> -> vector<2000x128xf32>
    %swap3A = arith.constant 0 : index
    %swap3A_24 = arith.constant 0 : index
    %swap3A_25 = vector.load %arg4[%swap3A, %swap3A_24] : memref<2000x128xf32, #tpu.memory_space<vmem>>, vector<2000x128xf32>
    tpu.vector_store %arg4[%swap3A, %swap3A_24], %dot_general3A_23 {strides = array<i32>} : memref<2000x128xf32, #tpu.memory_space<vmem>>, vector<2000x128xf32>,
    %mul3A = vector.broadcast %rsqrt3A : vector<2000x1xf32> to vector<2000x128xf32>
    %mul3A_26 = arith.mulf %mul3A, %dot_general3A_23 : vector<2000x128xf32>
    %swap3A_27 = arith.constant 0 : index
    %swap3A_28 = arith.constant 0 : index
    %swap3A_29 = vector.load %arg5[%swap3A_27, %swap3A_28] : memref<2000x128xf32, #tpu.memory_space<vmem>>, vector<2000x128xf32>
    tpu.vector_store %arg5[%swap3A_27, %swap3A_28], %mul3A_26 {strides = array<i32>} : memref<2000x128xf32, #tpu.memory_space<vmem>>, vector<2000x128xf32>,
    %swap3A_30 = arith.constant 0 : index
    %swap3A_31 = arith.constant 0 : index
    %swap3A_32 = vector.load %arg6[%swap3A_30, %swap3A_31] : memref<2000x1xf32, #tpu.memory_space<vmem>>, vector<2000x1xf32>
    tpu.vector_store %arg6[%swap3A_30, %swap3A_31], %rsqrt3A {strides = array<i32>} : memref<2000x1xf32, #tpu.memory_space<vmem>>, vector<2000x1xf32>,
    %swap3A_33 = arith.constant 0 : index
    %swap3A_34 = arith.constant 0 : index
    %swap3A_35 = vector.load %arg7[%swap3A_33, %swap3A_34] : memref<2000x1xf32, #tpu.memory_space<vmem>>, vector<2000x1xf32>
    tpu.vector_store %arg7[%swap3A_33, %swap3A_34], %div3A_16 {strides = array<i32>} : memref<2000x1xf32, #tpu.memory_space<vmem>>, vector<2000x1xf32>,
    return
  }
  func.func @transform_0(%arg0: i32) -> (i32, i32, i32) {
    %c0_i32 = arith.constant 0 : i32
    %c0_i32_0 = arith.constant 0 : i32
    %c0_i32_1 = arith.constant 0 : i32
    return %c0_i32, %arg0, %c0_i32_0 : i32, i32, i32
  }
  func.func @transform_1(%arg0: i32) -> (i32, i32) {
    %c0_i32 = arith.constant 0 : i32
    %c0_i32_0 = arith.constant 0 : i32
    return %arg0, %c0_i32 : i32, i32
  }
  func.func @transform_2(%arg0: i32) -> (i32, i32) {
    %c0_i32 = arith.constant 0 : i32
    %c0_i32_0 = arith.constant 0 : i32
    %c0_i32_1 = arith.constant 0 : i32
    return %c0_i32, %c0_i32_0 : i32, i32
  }
  func.func @transform_3(%arg0: i32) -> (i32, i32) {
    %c0_i32 = arith.constant 0 : i32
    %c0_i32_0 = arith.constant 0 : i32
    return %arg0, %c0_i32 : i32, i32
  }
  func.func @transform_4(%arg0: i32) -> (i32, i32) {
    %c0_i32 = arith.constant 0 : i32
    %c0_i32_0 = arith.constant 0 : i32
    return %arg0, %c0_i32 : i32, i32
  }
  func.func @transform_5(%arg0: i32) -> (i32, i32) {
    %c0_i32 = arith.constant 0 : i32
    %c0_i32_0 = arith.constant 0 : i32
    return %arg0, %c0_i32 : i32, i32
  }
  func.func @transform_6(%arg0: i32) -> (i32, i32) {
    %c0_i32 = arith.constant 0 : i32
    %c0_i32_0 = arith.constant 0 : i32
    return %arg0, %c0_i32 : i32, i32
  }
}

module attributes {stable_mosaic.version = 14 : i64} {
  func.func @body(%arg0: i32, %arg1: memref<2x2000x128xf32, #tpu.memory_space<vmem>>, %arg2: memref<2000x128xf32, #tpu.memory_space<vmem>>, %arg3: memref<2000x1xf32, #tpu.memory_space<vmem>>, %arg4: memref<1x128xf32, #tpu.memory_space<vmem>>, %arg5: memref<128x128xf32, #tpu.memory_space<vmem>>, %arg6: memref<2000x128xf32, #tpu.memory_space<vmem>>, %arg7: memref<2000x128xf32, #tpu.memory_space<vmem>>) attributes {dimension_semantics = [#tpu.dimension_semantics<arbitrary>], iteration_bounds = array<i64: 5>, scalar_prefetch = 0 : i64, scratch_operands = 0 : i64, tpu.core_type = #tpu.core_type<tc>, window_params = [{transform_indices = @transform_0, window_bounds = array<i64: 2, 2000, 128>}, {transform_indices = @transform_1, window_bounds = array<i64: 2000, 128>}, {transform_indices = @transform_2, window_bounds = array<i64: 2000, 1>}, {pipeline_mode = #tpu.pipeline_mode<synchronous>, transform_indices = @transform_3, window_bounds = array<i64: 1, 128>}, {pipeline_mode = #tpu.pipeline_mode<synchronous>, transform_indices = @transform_4, window_bounds = array<i64: 128, 128>}, {transform_indices = @transform_5, window_bounds = array<i64: 2000, 128>}, {transform_indices = @transform_6, window_bounds = array<i64: 2000, 128>}]} {
    %get3A = arith.constant 0 : index
    %get3A_0 = arith.constant 0 : index
    %get3A_1 = vector.load %arg3[%get3A, %get3A_0] : memref<2000x1xf32, #tpu.memory_space<vmem>>, vector<2000x1xf32>
    %get3A_2 = arith.constant 0 : index
    %get3A_3 = arith.constant 0 : index
    %get3A_4 = arith.constant 0 : index
    %get3A_5 = vector.load %arg1[%get3A_2, %get3A_3, %get3A_4] : memref<2x2000x128xf32, #tpu.memory_space<vmem>>, vector<1x2000x128xf32>
    %get3A_6 = vector.shape_cast %get3A_5 : vector<1x2000x128xf32> to vector<2000x128xf32>
    %get3A_7 = arith.constant 1 : index
    %get3A_8 = arith.constant 0 : index
    %get3A_9 = arith.constant 0 : index
    %get3A_10 = vector.load %arg1[%get3A_7, %get3A_8, %get3A_9] : memref<2x2000x128xf32, #tpu.memory_space<vmem>>, vector<1x2000x128xf32>
    %get3A_11 = vector.shape_cast %get3A_10 : vector<1x2000x128xf32> to vector<2000x128xf32>
    %add3A = arith.addf %get3A_6, %get3A_11 : vector<2000x128xf32>
    %get3A_12 = arith.constant 0 : index
    %get3A_13 = arith.constant 0 : index
    %get3A_14 = vector.load %arg2[%get3A_12, %get3A_13] : memref<2000x128xf32, #tpu.memory_space<vmem>>, vector<2000x128xf32>
    %mul3A = vector.broadcast %get3A_1 : vector<2000x1xf32> to vector<2000x128xf32>
    %mul3A_15 = arith.mulf %mul3A, %get3A_14 : vector<2000x128xf32>
    %add3A_16 = arith.addf %add3A, %mul3A_15 : vector<2000x128xf32>
    %mul3A_17 = vector.broadcast %get3A_1 : vector<2000x1xf32> to vector<2000x128xf32>
    %mul3A_18 = arith.mulf %mul3A_17, %add3A_16 : vector<2000x128xf32>
    %get3A_19 = arith.constant 0 : index
    %get3A_20 = arith.constant 0 : index
    %get3A_21 = vector.load %arg4[%get3A_19, %get3A_20] : memref<1x128xf32, #tpu.memory_space<vmem>>, vector<1x128xf32>
    %add3A_22 = vector.broadcast %get3A_21 : vector<1x128xf32> to vector<2000x128xf32>
    %add3A_23 = arith.addf %mul3A_18, %add3A_22 : vector<2000x128xf32>
    %max3A = arith.constant 0.000000e+00 : f32
    %max3A_24 = vector.broadcast %max3A : f32 to vector<2000x128xf32>
    %max3A_25 = arith.maximumf %add3A_23, %max3A_24 : vector<2000x128xf32>
    %get3A_26 = arith.constant 0 : index
    %get3A_27 = arith.constant 0 : index
    %get3A_28 = vector.load %arg5[%get3A_26, %get3A_27] : memref<128x128xf32, #tpu.memory_space<vmem>>, vector<128x128xf32>
    %dot_general3A = arith.constant dense<0.000000e+00> : vector<2000x128xf32>
    %dot_general3A_29 = tpu.matmul %max3A_25, %get3A_28, %dot_general3A {dimension_numbers = #tpu.dot_dimension_numbers<[1], [0], [0], [1], [0, 0, 1, 1], [], []>, transpose_lhs_hint = false} : vector<2000x128xf32>, vector<128x128xf32>, vector<2000x128xf32> -> vector<2000x128xf32>
    %swap3A = arith.constant 0 : index
    %swap3A_30 = arith.constant 0 : index
    %swap3A_31 = vector.load %arg6[%swap3A, %swap3A_30] : memref<2000x128xf32, #tpu.memory_space<vmem>>, vector<2000x128xf32>
    tpu.vector_store %arg6[%swap3A, %swap3A_30], %dot_general3A_29 {strides = array<i32>} : memref<2000x128xf32, #tpu.memory_space<vmem>>, vector<2000x128xf32>,
    %mul3A_32 = vector.broadcast %get3A_1 : vector<2000x1xf32> to vector<2000x128xf32>
    %mul3A_33 = arith.mulf %mul3A_32, %dot_general3A_29 : vector<2000x128xf32>
    %swap3A_34 = arith.constant 0 : index
    %swap3A_35 = arith.constant 0 : index
    %swap3A_36 = vector.load %arg7[%swap3A_34, %swap3A_35] : memref<2000x128xf32, #tpu.memory_space<vmem>>, vector<2000x128xf32>
    tpu.vector_store %arg7[%swap3A_34, %swap3A_35], %mul3A_33 {strides = array<i32>} : memref<2000x128xf32, #tpu.memory_space<vmem>>, vector<2000x128xf32>,
    return
  }
  func.func @transform_0(%arg0: i32) -> (i32, i32, i32) {
    %c0_i32 = arith.constant 0 : i32
    %c0_i32_0 = arith.constant 0 : i32
    %c0_i32_1 = arith.constant 0 : i32
    return %c0_i32, %arg0, %c0_i32_0 : i32, i32, i32
  }
  func.func @transform_1(%arg0: i32) -> (i32, i32) {
    %c0_i32 = arith.constant 0 : i32
    %c0_i32_0 = arith.constant 0 : i32
    return %arg0, %c0_i32 : i32, i32
  }
  func.func @transform_2(%arg0: i32) -> (i32, i32) {
    %c0_i32 = arith.constant 0 : i32
    %c0_i32_0 = arith.constant 0 : i32
    return %arg0, %c0_i32 : i32, i32
  }
  func.func @transform_3(%arg0: i32) -> (i32, i32) {
    %c0_i32 = arith.constant 0 : i32
    %c0_i32_0 = arith.constant 0 : i32
    %c0_i32_1 = arith.constant 0 : i32
    return %c0_i32, %c0_i32_0 : i32, i32
  }
  func.func @transform_4(%arg0: i32) -> (i32, i32) {
    %c0_i32 = arith.constant 0 : i32
    %c0_i32_0 = arith.constant 0 : i32
    %c0_i32_1 = arith.constant 0 : i32
    return %c0_i32, %c0_i32_0 : i32, i32
  }
  func.func @transform_5(%arg0: i32) -> (i32, i32) {
    %c0_i32 = arith.constant 0 : i32
    %c0_i32_0 = arith.constant 0 : i32
    return %arg0, %c0_i32 : i32, i32
  }
  func.func @transform_6(%arg0: i32) -> (i32, i32) {
    %c0_i32 = arith.constant 0 : i32
    %c0_i32_0 = arith.constant 0 : i32
    return %arg0, %c0_i32 : i32, i32
  }
}

module attributes {stable_mosaic.version = 14 : i64} {
  func.func @body(%arg0: i32, %arg1: memref<2x2000x128xf32, #tpu.memory_space<vmem>>, %arg2: memref<2000x128xf32, #tpu.memory_space<vmem>>, %arg3: memref<2000x1xf32, #tpu.memory_space<vmem>>, %arg4: memref<1x128xf32, #tpu.memory_space<vmem>>, %arg5: memref<2000x128xf32, #tpu.memory_space<vmem>>) attributes {dimension_semantics = [#tpu.dimension_semantics<arbitrary>], iteration_bounds = array<i64: 5>, scalar_prefetch = 0 : i64, scratch_operands = 0 : i64, tpu.core_type = #tpu.core_type<tc>, window_params = [{transform_indices = @transform_0, window_bounds = array<i64: 2, 2000, 128>}, {transform_indices = @transform_1, window_bounds = array<i64: 2000, 128>}, {transform_indices = @transform_2, window_bounds = array<i64: 2000, 1>}, {pipeline_mode = #tpu.pipeline_mode<synchronous>, transform_indices = @transform_3, window_bounds = array<i64: 1, 128>}, {transform_indices = @transform_4, window_bounds = array<i64: 2000, 128>}]} {
    %get3A = arith.constant 0 : index
    %get3A_0 = arith.constant 0 : index
    %get3A_1 = vector.load %arg3[%get3A, %get3A_0] : memref<2000x1xf32, #tpu.memory_space<vmem>>, vector<2000x1xf32>
    %get3A_2 = arith.constant 0 : index
    %get3A_3 = arith.constant 0 : index
    %get3A_4 = arith.constant 0 : index
    %get3A_5 = vector.load %arg1[%get3A_2, %get3A_3, %get3A_4] : memref<2x2000x128xf32, #tpu.memory_space<vmem>>, vector<1x2000x128xf32>
    %get3A_6 = vector.shape_cast %get3A_5 : vector<1x2000x128xf32> to vector<2000x128xf32>
    %get3A_7 = arith.constant 1 : index
    %get3A_8 = arith.constant 0 : index
    %get3A_9 = arith.constant 0 : index
    %get3A_10 = vector.load %arg1[%get3A_7, %get3A_8, %get3A_9] : memref<2x2000x128xf32, #tpu.memory_space<vmem>>, vector<1x2000x128xf32>
    %get3A_11 = vector.shape_cast %get3A_10 : vector<1x2000x128xf32> to vector<2000x128xf32>
    %add3A = arith.addf %get3A_6, %get3A_11 : vector<2000x128xf32>
    %get3A_12 = arith.constant 0 : index
    %get3A_13 = arith.constant 0 : index
    %get3A_14 = vector.load %arg2[%get3A_12, %get3A_13] : memref<2000x128xf32, #tpu.memory_space<vmem>>, vector<2000x128xf32>
    %mul3A = vector.broadcast %get3A_1 : vector<2000x1xf32> to vector<2000x128xf32>
    %mul3A_15 = arith.mulf %mul3A, %get3A_14 : vector<2000x128xf32>
    %add3A_16 = arith.addf %add3A, %mul3A_15 : vector<2000x128xf32>
    %mul3A_17 = vector.broadcast %get3A_1 : vector<2000x1xf32> to vector<2000x128xf32>
    %mul3A_18 = arith.mulf %mul3A_17, %add3A_16 : vector<2000x128xf32>
    %get3A_19 = arith.constant 0 : index
    %get3A_20 = arith.constant 0 : index
    %get3A_21 = vector.load %arg4[%get3A_19, %get3A_20] : memref<1x128xf32, #tpu.memory_space<vmem>>, vector<1x128xf32>
    %add3A_22 = vector.broadcast %get3A_21 : vector<1x128xf32> to vector<2000x128xf32>
    %add3A_23 = arith.addf %mul3A_18, %add3A_22 : vector<2000x128xf32>
    %max3A = arith.constant 0.000000e+00 : f32
    %max3A_24 = vector.broadcast %max3A : f32 to vector<2000x128xf32>
    %max3A_25 = arith.maximumf %add3A_23, %max3A_24 : vector<2000x128xf32>
    %swap3A = arith.constant 0 : index
    %swap3A_26 = arith.constant 0 : index
    %swap3A_27 = vector.load %arg5[%swap3A, %swap3A_26] : memref<2000x128xf32, #tpu.memory_space<vmem>>, vector<2000x128xf32>
    tpu.vector_store %arg5[%swap3A, %swap3A_26], %max3A_25 {strides = array<i32>} : memref<2000x128xf32, #tpu.memory_space<vmem>>, vector<2000x128xf32>,
    return
  }
  func.func @transform_0(%arg0: i32) -> (i32, i32, i32) {
    %c0_i32 = arith.constant 0 : i32
    %c0_i32_0 = arith.constant 0 : i32
    %c0_i32_1 = arith.constant 0 : i32
    return %c0_i32, %arg0, %c0_i32_0 : i32, i32, i32
  }
  func.func @transform_1(%arg0: i32) -> (i32, i32) {
    %c0_i32 = arith.constant 0 : i32
    %c0_i32_0 = arith.constant 0 : i32
    return %arg0, %c0_i32 : i32, i32
  }
  func.func @transform_2(%arg0: i32) -> (i32, i32) {
    %c0_i32 = arith.constant 0 : i32
    %c0_i32_0 = arith.constant 0 : i32
    return %arg0, %c0_i32 : i32, i32
  }
  func.func @transform_3(%arg0: i32) -> (i32, i32) {
    %c0_i32 = arith.constant 0 : i32
    %c0_i32_0 = arith.constant 0 : i32
    %c0_i32_1 = arith.constant 0 : i32
    return %c0_i32, %c0_i32_0 : i32, i32
  }
  func.func @transform_4(%arg0: i32) -> (i32, i32) {
    %c0_i32 = arith.constant 0 : i32
    %c0_i32_0 = arith.constant 0 : i32
    return %arg0, %c0_i32 : i32, i32
  }
}

module attributes {stable_mosaic.version = 14 : i64} {
  func.func @body(%arg0: i32, %arg1: memref<2x2000x128xf32, #tpu.memory_space<vmem>>, %arg2: memref<2000x1xf32, #tpu.memory_space<vmem>>, %arg3: memref<2000x128xf32, #tpu.memory_space<vmem>>, %arg4: memref<128x128xf32, #tpu.memory_space<vmem>>, %arg5: memref<1x128xf32, #tpu.memory_space<vmem>>, %arg6: memref<128x128xf32, #tpu.memory_space<vmem>>, %arg7: memref<2000x128xf32, #tpu.memory_space<vmem>>) attributes {dimension_semantics = [#tpu.dimension_semantics<arbitrary>], iteration_bounds = array<i64: 5>, scalar_prefetch = 0 : i64, scratch_operands = 0 : i64, tpu.core_type = #tpu.core_type<tc>, window_params = [{transform_indices = @transform_0, window_bounds = array<i64: 2, 2000, 128>}, {transform_indices = @transform_1, window_bounds = array<i64: 2000, 1>}, {transform_indices = @transform_2, window_bounds = array<i64: 2000, 128>}, {pipeline_mode = #tpu.pipeline_mode<synchronous>, transform_indices = @transform_3, window_bounds = array<i64: 128, 128>}, {pipeline_mode = #tpu.pipeline_mode<synchronous>, transform_indices = @transform_4, window_bounds = array<i64: 1, 128>}, {pipeline_mode = #tpu.pipeline_mode<synchronous>, transform_indices = @transform_5, window_bounds = array<i64: 128, 128>}, {transform_indices = @transform_6, window_bounds = array<i64: 2000, 128>}]} {
    %get3A = arith.constant 0 : index
    %get3A_0 = arith.constant 0 : index
    %get3A_1 = vector.load %arg2[%get3A, %get3A_0] : memref<2000x1xf32, #tpu.memory_space<vmem>>, vector<2000x1xf32>
    %get3A_2 = arith.constant 0 : index
    %get3A_3 = arith.constant 0 : index
    %get3A_4 = arith.constant 0 : index
    %get3A_5 = vector.load %arg1[%get3A_2, %get3A_3, %get3A_4] : memref<2x2000x128xf32, #tpu.memory_space<vmem>>, vector<1x2000x128xf32>
    %get3A_6 = vector.shape_cast %get3A_5 : vector<1x2000x128xf32> to vector<2000x128xf32>
    %get3A_7 = arith.constant 1 : index
    %get3A_8 = arith.constant 0 : index
    %get3A_9 = arith.constant 0 : index
    %get3A_10 = vector.load %arg1[%get3A_7, %get3A_8, %get3A_9] : memref<2x2000x128xf32, #tpu.memory_space<vmem>>, vector<1x2000x128xf32>
    %get3A_11 = vector.shape_cast %get3A_10 : vector<1x2000x128xf32> to vector<2000x128xf32>
    %add3A = arith.addf %get3A_6, %get3A_11 : vector<2000x128xf32>
    %mul3A = vector.broadcast %get3A_1 : vector<2000x1xf32> to vector<2000x128xf32>
    %mul3A_12 = arith.mulf %mul3A, %add3A : vector<2000x128xf32>
    %get3A_13 = arith.constant 0 : index
    %get3A_14 = arith.constant 0 : index
    %get3A_15 = vector.load %arg4[%get3A_13, %get3A_14] : memref<128x128xf32, #tpu.memory_space<vmem>>, vector<128x128xf32>
    %dot_general3A = arith.constant dense<0.000000e+00> : vector<2000x128xf32>
    %dot_general3A_16 = tpu.matmul %mul3A_12, %get3A_15, %dot_general3A {dimension_numbers = #tpu.dot_dimension_numbers<[1], [0], [0], [1], [0, 0, 1, 1], [], []>, transpose_lhs_hint = false} : vector<2000x128xf32>, vector<128x128xf32>, vector<2000x128xf32> -> vector<2000x128xf32>
    %get3A_17 = arith.constant 0 : index
    %get3A_18 = arith.constant 0 : index
    %get3A_19 = vector.load %arg5[%get3A_17, %get3A_18] : memref<1x128xf32, #tpu.memory_space<vmem>>, vector<1x128xf32>
    %add3A_20 = vector.broadcast %get3A_19 : vector<1x128xf32> to vector<2000x128xf32>
    %add3A_21 = arith.addf %dot_general3A_16, %add3A_20 : vector<2000x128xf32>
    %get3A_22 = arith.constant 0 : index
    %get3A_23 = arith.constant 0 : index
    %get3A_24 = vector.load %arg3[%get3A_22, %get3A_23] : memref<2000x128xf32, #tpu.memory_space<vmem>>, vector<2000x128xf32>
    %get3A_25 = arith.constant 0 : index
    %get3A_26 = arith.constant 0 : index
    %get3A_27 = vector.load %arg6[%get3A_25, %get3A_26] : memref<128x128xf32, #tpu.memory_space<vmem>>, vector<128x128xf32>
    %dot_general3A_28 = arith.constant dense<0.000000e+00> : vector<2000x128xf32>
    %dot_general3A_29 = tpu.matmul %get3A_24, %get3A_27, %dot_general3A_28 {dimension_numbers = #tpu.dot_dimension_numbers<[1], [0], [0], [1], [0, 0, 1, 1], [], []>, transpose_lhs_hint = false} : vector<2000x128xf32>, vector<128x128xf32>, vector<2000x128xf32> -> vector<2000x128xf32>
    %add3A_30 = arith.addf %add3A_21, %dot_general3A_29 : vector<2000x128xf32>
    %swap3A = arith.constant 0 : index
    %swap3A_31 = arith.constant 0 : index
    %swap3A_32 = vector.load %arg7[%swap3A, %swap3A_31] : memref<2000x128xf32, #tpu.memory_space<vmem>>, vector<2000x128xf32>
    tpu.vector_store %arg7[%swap3A, %swap3A_31], %add3A_30 {strides = array<i32>} : memref<2000x128xf32, #tpu.memory_space<vmem>>, vector<2000x128xf32>,
    return
  }
  func.func @transform_0(%arg0: i32) -> (i32, i32, i32) {
    %c0_i32 = arith.constant 0 : i32
    %c0_i32_0 = arith.constant 0 : i32
    %c0_i32_1 = arith.constant 0 : i32
    return %c0_i32, %arg0, %c0_i32_0 : i32, i32, i32
  }
  func.func @transform_1(%arg0: i32) -> (i32, i32) {
    %c0_i32 = arith.constant 0 : i32
    %c0_i32_0 = arith.constant 0 : i32
    return %arg0, %c0_i32 : i32, i32
  }
  func.func @transform_2(%arg0: i32) -> (i32, i32) {
    %c0_i32 = arith.constant 0 : i32
    %c0_i32_0 = arith.constant 0 : i32
    return %arg0, %c0_i32 : i32, i32
  }
  func.func @transform_3(%arg0: i32) -> (i32, i32) {
    %c0_i32 = arith.constant 0 : i32
    %c0_i32_0 = arith.constant 0 : i32
    %c0_i32_1 = arith.constant 0 : i32
    return %c0_i32, %c0_i32_0 : i32, i32
  }
  func.func @transform_4(%arg0: i32) -> (i32, i32) {
    %c0_i32 = arith.constant 0 : i32
    %c0_i32_0 = arith.constant 0 : i32
    %c0_i32_1 = arith.constant 0 : i32
    return %c0_i32, %c0_i32_0 : i32, i32
  }
  func.func @transform_5(%arg0: i32) -> (i32, i32) {
    %c0_i32 = arith.constant 0 : i32
    %c0_i32_0 = arith.constant 0 : i32
    %c0_i32_1 = arith.constant 0 : i32
    return %c0_i32, %c0_i32_0 : i32, i32
  }
  func.func @transform_6(%arg0: i32) -> (i32, i32) {
    %c0_i32 = arith.constant 0 : i32
    %c0_i32_0 = arith.constant 0 : i32
    return %arg0, %c0_i32 : i32, i32
  }
}

</mosaic_0001>

<sc_bundles>
// kernel: kernel.10.cloned.1.call-start
scs
__scs_entry_jumppad:
0x0: {  	(pc) =	sbr.rel $0x88, $3  }
0x1: {  	(tag) =	ssettag $0x0;
	lr =	simm.s32 $0x1  }
0x2: {  	[smem:$0x3F98] =	sst lr;
	_ =	strace $0xD0000000  }
0x3: {  	_ = 	snop  }
0x4: {  	_ = 	snop  }
0x5: {  	_ = 	snop  }
0x6: {  	_ = 	snop  }
0x7: {  	_ = 	snop  }
__scs_overlays_trampoline_lowered:
0x8: {  	[smem:$0x3FA7] =	sst s0  }
0x9: {  	[smem:$0x3FA8] =	sst s1  }
0xa: {  	[smem:$0x3FA9] =	sst s2  }
0xb: {  	[smem:$0x3FAA] =	sst s3  }
0xc: {  	[smem:$0x3FAB] =	sst s4  }
0xd: {  	[smem:$0x3FAC] =	sst s5  }
0xe: {  	[smem:$0x3FAD] =	sst s6  }
0xf: {  	[smem:$0x3FAE] =	sst s7  }
0x10: {  	[smem:$0x3FAF] =	sst s8  }
0x11: {  	[smem:$0x3FB0] =	sst s9;
	s0 =	simm.s32 @!p0 $0x0  }
0x12: {  	s1 =	sld [smem:$0x3F96];
	s0 =	simm.s32 @p0 $0x1  }
0x13: {  	[smem:$0x3FB1] =	sst s0;
	s0 =	simm.s32 @!p1 $0x0  }
0x14: {  	s2 =	sld [smem:$0x3F95];
	s0 =	simm.s32 @p1 $0x1  }
0x15: {  	[smem:$0x3FB2] =	sst s0;
	s0 =	simm.s32 @!p2 $0x0  }
0x16: {  	s3 =	sld [smem:$0x3FDB];
	s0 =	simm.s32 @p2 $0x1  }
0x17: {  	s4 =	simm.s32 $0x1BF5;
	[smem:$0x3FB4] =	sst s0  }
0x18: {  	s0 =	sld [smem:$0x3F97];
	_ =	swait.ge [sflag:s4], $0x0  }
0x19: {  	s7 =	sld [smem:$0x3F98]  }
0x1a: {  	s8 =	sadd.s32 $0xFFFFE003, lr  }
0x1b: {  	s9 =	sadd.s32 $0xFFFFFEF7, lr;
	s5 =	simm.s32 $0xFFFFFFFF;
	p2 =	slt.u32 s8, $0xFFFFF086  }
0x1c: {  	p1 =	slt.u32 s9, $0xF7A;
	s5 =	simm.s32 @!p2 $0x0  }
0x1d: {  	s5 =	simm.s32 @p1 $0x1;
	p0 =	seq.s32 s7, s2  }
0x1e: {  	s7 =	smul.u32 @!p0 $0xF7A, s2;
	p2 =	seq.s32 @!p0 s5, $0x0  }
0x1f: {  	s9 =	smul.u32 $0xF7A, s1;
	s8 =	simm.s32 @!p0 $0x1BF5;
	p2 =	por !p2, p0  }
0x20: {  	[sflag:s8] =	ssyncset.s32 @!p0 $0xFFFFF086;
	s6 =	sadd.s32 @!p0 s3, s7;
	s7 =	simm.s32 @!p0 $0x108  }
0x21: {  	s3 =	sadd.s32 s3, s9;
	s6 =	sadd.s32 @!p0 $0x88, s6;
	s7 =	simm.s32 @p2 $0x1082  }
0x22: {  	[simem:s7], [sflag:s8] =	dma.local @!p0 [hbm:s6], $0xF7A  }
0x23: {  	s9 =	sor.u32 $0xD0000000, s2;
	s6 =	simm.s32 $0x108;
	_ =	swait.ge @!p0 [sflag:s8], $0x0  }
0x24: {  	s3 =	sadd.s32 $0x88, s3;
	s6 =	simm.s32 @!p1 $0x1082;
	[sflag:s4] =	ssyncset.s32 $0xFFFFF086  }
0x25: {  	[simem:s6], [sflag:s4] =	dma.local [hbm:s3], $0xF7A  }
0x26: {  	[smem:$0x3F98] =	sst s1;
	(tag) =	ssettag s2;
	_ =	strace s9  }
0x27: {  	s1 =	sld [smem:$0x3FA8]  }
0x28: {  	s2 =	sld [smem:$0x3FA9]  }
0x29: {  	s4 =	sld [smem:$0x3FAB]  }
0x2a: {  	p0 =	seq.s32 s5, $0x0;
	s5 =	sld [smem:$0x3FAC]  }
0x2b: {  	s6 =	sld [smem:$0x3FAD]  }
0x2c: {  	s7 =	sld [smem:$0x3FAE]  }
0x2d: {  	s3 =	simm.s32 $0x108;
	s8 =	sld [smem:$0x3FAF]  }
0x2e: {  	s3 =	simm.s32 @!p0 $0x1082;
	s9 =	sld [smem:$0x3FB0]  }
0x2f: {  	lr =	sadd.s32 s0, s3;
	s0 =	sld [smem:$0x3FA7]  }
0x30: {  	s3 =	sld [smem:$0x3FAA]  }
0x31: {  	[smem:$0x3FB3] =	sst s10  }
0x32: {  	s10 =	sld [smem:$0x3FB1];
	_ =	sdelay $0x3  }
0x33: {  	p0 =	seq.s32 s10, $0x1;
	s10 =	sld [smem:$0x3FB3];
	_ =	sdelay $0x3  }
0x34: {  	[smem:$0x3FB3] =	sst s10  }
0x35: {  	s10 =	sld [smem:$0x3FB2];
	_ =	sdelay $0x3  }
0x36: {  	p1 =	seq.s32 s10, $0x1;
	s10 =	sld [smem:$0x3FB3];
	_ =	sdelay $0x3  }
0x37: {  	[smem:$0x3FB3] =	sst s10  }
0x38: {  	s10 =	sld [smem:$0x3FB4]  }
0x39: {  	_ = 	snop;
	(pc) =	sbr.ind lr, $3  }
0x3a: {  	_ = 	snop  }
0x3b: {  	_ = 	snop  }
0x3c: {  	p2 =	seq.s32 s10, $0x1;
	s10 =	sld [smem:$0x3FB3]  }
0x3d: {  	_ =	shalt  }
0x3e: {  	_ =	shalt  }
0x3f: {  	_ =	shalt  }
0x40: {  	_ =	shalt  }
0x41: {  	_ =	shalt  }
0x42: {  	_ =	shalt  }
0x43: {  	_ =	shalt  }
0x44: {  	_ =	shalt  }
0x45: {  	_ =	shalt  }
0x46: {  	_ =	shalt  }
0x47: {  	_ =	shalt  }
0x48: {  	_ =	shalt  }
0x49: {  	_ =	shalt  }
0x4a: {  	_ =	shalt  }
0x4b: {  	_ =	shalt  }
0x4c: {  	_ =	shalt  }
0x4d: {  	_ =	shalt  }
0x4e: {  	_ =	shalt  }
0x4f: {  	_ =	shalt  }
0x50: {  	_ =	shalt  }
0x51: {  	_ =	shalt  }
0x52: {  	_ =	shalt  }
0x53: {  	_ =	shalt  }
0x54: {  	_ =	shalt  }
0x55: {  	_ =	shalt  }
0x56: {  	_ =	shalt  }
0x57: {  	_ =	shalt  }
0x58: {  	_ =	shalt  }
0x59: {  	_ =	shalt  }
0x5a: {  	_ =	shalt  }
0x5b: {  	_ =	shalt  }
0x5c: {  	_ =	shalt  }
0x5d: {  	_ =	shalt  }
0x5e: {  	_ =	shalt  }
0x5f: {  	_ =	shalt  }
0x60: {  	_ =	shalt  }
0x61: {  	_ =	shalt  }
0x62: {  	_ =	shalt  }
0x63: {  	_ =	shalt  }
0x64: {  	_ =	shalt  }
0x65: {  	_ =	shalt  }
0x66: {  	_ =	shalt  }
0x67: {  	_ =	shalt  }
0x68: {  	_ =	shalt  }
0x69: {  	_ =	shalt  }
0x6a: {  	_ =	shalt  }
0x6b: {  	_ =	shalt  }
0x6c: {  	_ =	shalt  }
0x6d: {  	_ =	shalt  }
0x6e: {  	_ =	shalt  }
0x6f: {  	_ =	shalt  }
0x70: {  	_ =	shalt  }
0x71: {  	_ =	shalt  }
0x72: {  	_ =	shalt  }
0x73: {  	_ =	shalt  }
0x74: {  	_ =	shalt  }
0x75: {  	_ =	shalt  }
0x76: {  	_ =	shalt  }
0x77: {  	_ =	shalt  }
0x78: {  	_ =	shalt  }
0x79: {  	_ =	shalt  }
0x7a: {  	_ =	shalt  }
0x7b: {  	_ =	shalt  }
0x7c: {  	_ =	shalt  }
0x7d: {  	_ =	shalt  }
0x7e: {  	_ =	shalt  }
0x7f: {  	_ =	shalt  }
0x80: {  	_ =	shalt  }
0x81: {  	_ =	shalt  }
0x82: {  	_ =	shalt  }
0x83: {  	_ =	shalt  }
0x84: {  	_ =	shalt  }
0x85: {  	_ =	shalt  }
0x86: {  	_ =	shalt  }
0x87: {  	_ =	shalt  }
.Lfunc_end0:
.L_simem_size_0:
called_computation_lowered:
.L_overlay_start_0:
0x88: {  	s2 =	sld [smem:$0x3FD9]  }
0x89: {  	s3 =	sld [smem:$0x3FFE];
	_ =	sdelay $0x1  }
0x8a: {  	s1 =	srdreg.scid  }
0x8b: {  	s0 =	sand.u32 $0x1, s1  }
0x8c: {  	s17 =	sshll.u32 s0, $0xA;
	s2 =	sadd.s32 s3, s2  }
0x8d: {  	s2 =	sadd.s32 s2, s17  }
0x8e: {  	[smem:$0x3FBF] =	sst s2  }
0x8f: {  	_ = 	snop  }
0x90: {  	s2 =	sld [smem:$0x3FD0];
	(tm) =	ssettm $0x1  }
0x91: {  	s18 =	sld [smem:$0x3FFB];
	_ =	sdelay $0x3  }
0x92: {  	_ =	strace s18  }
0x93: {  	s3 =	sld [smem:$0x3FFC];
	_ =	sdelay $0x3  }
0x94: {  	_ =	strace s3  }
0x95: {  	s3 =	sld [smem:$0x3FFD];
	_ =	sdelay $0x3  }
0x96: {  	_ =	strace s3  }
0x97: {  	_ =	strace $0x8FFFFFFF  }
0x98: {  	s19 =	sld [smem:$0x3FDB];
	_ =	sdelay $0x1  }
0x99: {  	s4 =	simm.s32 $_scs_section_size  }
0x9a: {  	s5 =	simm.s32 $_size__tile_overlayer_lowered;
	s6 =	simm.s32 $_tile_overlayer_lowered  }
0x9b: {  	s22 =	simm.s32 $0x1BFF;
	s21 =	sshll.u32 s6, $0x1;
	s3 =	sadd.s32 s4, s19  }
0x9c: {  	s7 =	simm.s32 $0x0;
	s20 =	sshll.u32 s5, $0x1;
	s5 =	sadd.s32 s21, s3  }
0x9d: {  	[timem:s7], [sflag:s22] =	dma.local [hbm:s5], s20  }
0x9e: {  	_ =	swait.ge [sflag:s22], s20  }
0x9f: {  	s4 =	ssub.s32 $0x0, s20;
	[sflag:s22] =	ssyncset.done $0x0  }
0xa0: {  	[sflag:s22] =	ssyncadd.s32 s4;
	_ =	sdelay $0x1  }
0xa1: {  	s23 =	simm.s32 $0x1B8B  }
0xa2: {  	_ =	swait.ge [sflag:s23], $0x1  }
0xa3: {  	[sflag:s23] =	ssyncset.done $0x0  }
0xa4: {  	s25 =	simm.s32 $0x1B8E;
	s24 =	sld [smem:$0x3FFE];
	[sflag:s23] =	ssyncadd.s32 $0xFFFFFFFF  }
0xa5: {  	s26 =	simm.s32 $execute0_lowered;
	[smem:$0x3FD2] =	sst s25  }
0xa6: {  	s5 =	sshll.u32 s26, $0x1;
	_ =	strace $0x80000046;
	[dreg:$0x1] =	wrdreg $0xFFFFFFFF  }
0xa7: {  	s28 =	simm.s32 $_size_execute0_lowered;
	s3 =	sadd.s32 s3, s5;
	[dreg:$0x0] =	wrdreg $0x0  }
0xa8: {  	s5 =	sshll.u32 s28, $0x1;
	[dreg:$0x2] =	wrdreg s3  }
0xa9: {  	[dreg:$0x3] =	wrdreg s5  }
0xaa: {  	[dreg:$0x4] =	wrdreg $0xC0  }
0xab: {  	_ =	task [dreg:s7], $0x5FFFF  }
0xac: {  	[dreg:$0x1] =	wrdreg $0xFFFFFFFF  }
0xad: {  	[dreg:$0x0] =	wrdreg $0x60  }
0xae: {  	[dreg:$0x2] =	wrdreg s24  }
0xaf: {  	[dreg:$0x3] =	wrdreg s2  }
0xb0: {  	[dreg:$0x4] =	wrdreg $0x40800  }
0xb1: {  	[dreg:$0x5] =	wrdreg $0x9  }
0xb2: {  	_ =	task.clear_ibuf [dreg:s7], $0x6FFFF;
	_ =	strace $0x90000046  }
0xb3: {  	s29 =	simm.s32 $0x9;
	_ =	strace $0x80000048  }
0xb4: {  	_ =	swait.ge [sflag:s29], $0x1  }
0xb5: {  	[sflag:s29] =	ssyncadd.s32 $0xFFFFFFFF  }
0xb6: {  	_ =	strace $0x90000048  }
0xb7: {  	_ =	sfence  }
0xb8: {  	s30 =	sld [smem:$0x0];
	_ =	sdelay $0x2  }
0xb9: {  	s31 =	sshll.u32 s1, $0xD;
	s1 =	sshrl.u32 s1, $0x2  }
0xba: {  	s3 =	sand.u32 $0x4000, s31;
	s1 =	sadd.s32 s1, s30  }
0xbb: {  	s0 =	sor.u32 s3, s0;
	s1 =	sshll.u32 s1, $0x11  }
0xbc: {  	s0 =	sor.u32 s1, s0  }
0xbd: {  	s0 =	sadd.s32 $0x8F2B, s0  }
0xbe: {  	[sflag:s0] =	ssyncadd.remote.s32 $0x1  }
0xbf: {  	_ =	sfence.sel $0xFFFF  }
0xc0: {  	[dreg:$0x0] =	wrdreg $0xFFFFFFFF;
	(pc) =	sbr.abs _section_cstart, $3  }
0xc1: {  	[dreg:$0x1] =	wrdreg $0xFFFFFFFF  }
0xc2: {  	_ =	task.clear_ibuf [dreg:s7], $0x2FFFF;
	_ =	strace $0x9FFFFFFF  }
0xc3: {  	(tm) =	ssettm $0x7FFFFFFF  }
tec
execute0_lowered:
.L_overlay_start_1:
0x0: {  	(tag) =	ssettag $0x1  }
0x1: {  	s0 =	srdreg.scid  }
0x2: {  	s5 =	rddreg [dreg:$0x0];
	s6 =	sand.u32 $0x1, s0  }
0x3: {  	s0 =	stileid.u32;
	s4 =	smul.u32 $0x4E0, s6  }
0x4: {  	s2 =	rddreg [dreg:$0x1];
	s7 =	smul.u32 $0x4E, s0  }
0x5: {  	s3 =	rddreg [dreg:$0x2];
	s26 =	smul.u32 $0x13C00, s0  }
0x6: {  	s14 =	simm.s32 $0x0;
	s1 =	sshll.u32 s6, $0x4;
	s10 =	smul.u32 $0x13C000, s6  }
0x7: {  	s6 =	ssub.s32 $0x2, s6;
	s12 =	smul.u32 $0x4F000, s0;
	s31 =	sshll.u32 s0, $0x6  }
0x8: {  	s8 =	sor.u32 s0, s1;
	s1 =	rddreg [dreg:$0x3];
	s29 =	sshrl.u32 s6, $0x1  }
0x9: {  	s7 =	sadd.s32 s7, s4;
	s9 =	smin.u32 s8, $0x4;
	s4 =	simm.s32 $0x0  }
0xa: {  	s28 =	sshrl.u32 s26, $0x3;
	s30 =	sshrl.u32 s12, $0x2;
	p0 =	slt.u32 s8, $0x4  }
0xb: {  	s12 =	sor.u32 $0x1C01, s31;
	s7 =	sadd.s32 s9, s7;
	[smem:$0x7FF] =	sst s4  }
0xc: {  	s9 =	sadd.s32 s26, s10;
	s10 =	ssub.s32 s6, s29;
	s13 =	sadd.s32 s30, s3  }
0xd: {  	s7 =	sshll.u32 s7, $0x4;
	_ =	strace $0x80000047;
	s9 =	sshrl.u32 s9, $0x3  }
0xe: {  	s8 =	smax.u32 s10, $0x1;
	s10 =	simm.s32 $0x80;
	s11 =	sadd.s32 s7, s5  }
0xf: {  	s7 =	sadd.s32 s28, s5;
	s9 =	sadd.s32 s9, s5;
	s5 =	simm.s32 $0x4F  }
0x10: {  	s13 =	sshrl.u32 s13, $0x3;
	s6 =	sadd.s32 $0x16000, s7;
	s5 =	simm.s32 @!p0 $0x4E  }
0x11: {  	s7 =	sadd.s32 $0x3D800, s9;
	s9 =	sadd.s32 $0xC200, s11;
	s11 =	simm.s32 $0x1  }
.LBB2_1:
0x12: {  	[tilespmem:s10], [sflag:$0x1] =	stream.linear.gather [hbm4b:s2+s4], $0x4000, $0x38;
	[tilespmem:$0x17C80] =	vst v63  }
0x13: {  	_ =	swait.ge [sflag:s11], $0x4000  }
0x14: {  	[sflag:s11] =	ssyncset.done $0x0  }
0x15: {  	[sflag:s11] =	ssyncadd.s32 $0xFFFFC000  }
0x16: {  	[spmem:s13], [sflag:s12] =	dma.local [hbm:s6], $0x2780  }
0x17: {  	_ =	swait.ge [sflag:s11], $0x2780  }
0x18: {  	[sflag:s11] =	ssyncset.done $0x0  }
0x19: {  	[sflag:s11] =	ssyncadd.s32 $0xFFFFD880  }
0x1a: {  	[bflag:$0x0] =	sbarrier.arrive $0xFFFF  }
0x1b: {  	[tilespmem:s4], [sflag:$0x1] =	stream.linear.gather [hbm4b:s9+s4], $0x80, $0x38;
	[tilespmem:$0x17C80] =	vst v63  }
0x1c: {  	p0 =	sne.s32 s5, $0x1;
	_ =	swait.ge [sflag:s11], $0x80  }
.Ltmp0:
0x1d: {  	[sflag:s11] =	ssyncset.done $0x0;
	(pc) =	sbr.rel @!p0 .LBB2_3-.Ltmp0, $4  }
0x1e: {  	[sflag:s11] =	ssyncadd.s32 $0xFFFFFF80  }
0x1f: {  	[spmem:s3] =	stream.indirect.scatter.add.f32 [tilespmem:s10], [sflag:$0x1], $0x80, s4, s10, $0xb8;
	[tilespmem:$0x17C80] =	vst v63  }
0x20: {  	_ =	swait.ge [sflag:s11], $0x4000  }
0x21: {  	s15 =	sadd.s32 $0xFFFFFFFF, s5;
	s16 =	smov.u32 s9;
	[sflag:s11] =	ssyncset.done $0x0  }
.LBB2_2:
0x22: {  	p0 =	sne.s32 s15, $0x1;
	[sflag:s11] =	ssyncadd.s32 $0xFFFFC000;
	s16 =	sadd.s32 $0x10, s16  }
0x23: {  	[tilespmem:s4], [sflag:$0x1] =	stream.linear.gather [hbm4b:s16+s4], $0x80, $0x38;
	[tilespmem:$0x17C80] =	vst v63  }
0x24: {  	s15 =	sadd.s32 $0xFFFFFFFF, s15;
	_ =	swait.ge [sflag:s11], $0x80  }
.Ltmp1:
0x25: {  	[sflag:s11] =	ssyncset.done $0x0;
	(pc) =	sbr.rel @p0 .LBB2_2-.Ltmp1, $4  }
0x26: {  	[sflag:s11] =	ssyncadd.s32 $0xFFFFFF80  }
0x27: {  	[spmem:s3] =	stream.indirect.scatter.add.f32 [tilespmem:s10], [sflag:$0x1], $0x80, s4, s10, $0xb8;
	[tilespmem:$0x17C80] =	vst v63  }
0x28: {  	_ =	swait.ge [sflag:s11], $0x4000  }
0x29: {  	[sflag:s11] =	ssyncset.done $0x0  }
.LBB2_3:
0x2a: {  	s14 =	sadd.s32 $0x1, s14  }
0x2b: {  	[sflag:s11] =	ssyncadd.s32 $0xFFFFC000;
	p0 =	sne.s32 s14, s8  }
.Ltmp2:
0x2c: {  	[bflag:$0x0] =	sbarrier.arrive $0xFFFF;
	(pc) =	sbr.rel @p0 .LBB2_1-.Ltmp2, $4  }
0x2d: {  	[hbm:s7], [sflag:s12] =	dma.local [spmem:s13], $0x2780  }
0x2e: {  	_ =	swait.ge [sflag:s11], $0x2780  }
0x2f: {  	[sflag:s11] =	ssyncset.done $0x0  }
0x30: {  	[sflag:s11] =	ssyncadd.s32 $0xFFFFD880  }
0x31: {  	_ =	sfence.sel $0x180000  }
0x32: {  	[bflag:$0x0] =	sbarrier.arrive $0xFFFF  }
0x33: {  	p0 =	sne.s32 s0, $0x0;
	_ =	strace $0x90000047  }
0x34: {  	s0 =	sadd.s32 @!p0 $0x100000, s1;
	[bflag:$0x2] =	sbarrier.arrive $0xFFFF  }
0x35: {  	[sflag:s0] =	ssyncadd.tile.s32 @!p0 $0x1;
	_ =	shalt  }
.Lfunc_end2:
_tile_overlayer_lowered:
.L_overlay_start_2:
0x36: {  	(tag) =	ssettag $0x2  }
0x37: {  	s0 =	rddreg [dreg:$0x0];
	s2 =	stileid.u32  }
0x38: {  	s1 =	rddreg [dreg:$0x1];
	p0 =	sne.s32 s2, $0x0  }
0x39: {  	s3 =	rddreg [dreg:$0x2];
	[bflag:$0x3] =	sbarrier.arrive $0xFFFF;
	s2 =	simm.s32 @!p0 $0x1C01  }
0x3a: {  	[timem:s3], [sflag:s2] =	dma.local @!p0 [hbm:s0], s1  }
0x3b: {  	s0 =	simm.s32 @!p0 $0x1  }
0x3c: {  	_ =	swait.ge @!p0 [sflag:s0], s1  }
0x3d: {  	s1 =	ssub.s32 @!p0 $0x0, s1;
	[sflag:s0] =	ssyncset.done @!p0 $0x0  }
0x3e: {  	[sflag:s0] =	ssyncadd.s32 @!p0 s1  }
0x3f: {  	[bflag:$0x3] =	sbarrier.arrive $0xFFFF  }
0x40: {  	_ =	shalt  }

// kernel: kernel.13.cloned.1.call-start
scs
__scs_entry_jumppad:
0x0: {  	(pc) =	sbr.rel $0x88, $3  }
0x1: {  	(tag) =	ssettag $0x0;
	lr =	simm.s32 $0x1  }
0x2: {  	[smem:$0x3F98] =	sst lr;
	_ =	strace $0xD0000000  }
0x3: {  	_ = 	snop  }
0x4: {  	_ = 	snop  }
0x5: {  	_ = 	snop  }
0x6: {  	_ = 	snop  }
0x7: {  	_ = 	snop  }
__scs_overlays_trampoline_lowered:
0x8: {  	[smem:$0x3FA7] =	sst s0  }
0x9: {  	[smem:$0x3FA8] =	sst s1  }
0xa: {  	[smem:$0x3FA9] =	sst s2  }
0xb: {  	[smem:$0x3FAA] =	sst s3  }
0xc: {  	[smem:$0x3FAB] =	sst s4  }
0xd: {  	[smem:$0x3FAC] =	sst s5  }
0xe: {  	[smem:$0x3FAD] =	sst s6  }
0xf: {  	[smem:$0x3FAE] =	sst s7  }
0x10: {  	[smem:$0x3FAF] =	sst s8  }
0x11: {  	[smem:$0x3FB0] =	sst s9;
	s0 =	simm.s32 @!p0 $0x0  }
0x12: {  	s1 =	sld [smem:$0x3F96];
	s0 =	simm.s32 @p0 $0x1  }
0x13: {  	[smem:$0x3FB1] =	sst s0;
	s0 =	simm.s32 @!p1 $0x0  }
0x14: {  	s2 =	sld [smem:$0x3F95];
	s0 =	simm.s32 @p1 $0x1  }
0x15: {  	[smem:$0x3FB2] =	sst s0;
	s0 =	simm.s32 @!p2 $0x0  }
0x16: {  	s3 =	sld [smem:$0x3FDB];
	s0 =	simm.s32 @p2 $0x1  }
0x17: {  	s4 =	simm.s32 $0x1BF5;
	[smem:$0x3FB4] =	sst s0  }
0x18: {  	s0 =	sld [smem:$0x3F97];
	_ =	swait.ge [sflag:s4], $0x0  }
0x19: {  	s7 =	sld [smem:$0x3F98]  }
0x1a: {  	s8 =	sadd.s32 $0xFFFFE003, lr  }
0x1b: {  	s9 =	sadd.s32 $0xFFFFFEF7, lr;
	s5 =	simm.s32 $0xFFFFFFFF;
	p2 =	slt.u32 s8, $0xFFFFF086  }
0x1c: {  	p1 =	slt.u32 s9, $0xF7A;
	s5 =	simm.s32 @!p2 $0x0  }
0x1d: {  	s5 =	simm.s32 @p1 $0x1;
	p0 =	seq.s32 s7, s2  }
0x1e: {  	s7 =	smul.u32 @!p0 $0xF7A, s2;
	p2 =	seq.s32 @!p0 s5, $0x0  }
0x1f: {  	s9 =	smul.u32 $0xF7A, s1;
	s8 =	simm.s32 @!p0 $0x1BF5;
	p2 =	por !p2, p0  }
0x20: {  	[sflag:s8] =	ssyncset.s32 @!p0 $0xFFFFF086;
	s6 =	sadd.s32 @!p0 s3, s7;
	s7 =	simm.s32 @!p0 $0x108  }
0x21: {  	s3 =	sadd.s32 s3, s9;
	s6 =	sadd.s32 @!p0 $0x88, s6;
	s7 =	simm.s32 @p2 $0x1082  }
0x22: {  	[simem:s7], [sflag:s8] =	dma.local @!p0 [hbm:s6], $0xF7A  }
0x23: {  	s9 =	sor.u32 $0xD0000000, s2;
	s6 =	simm.s32 $0x108;
	_ =	swait.ge @!p0 [sflag:s8], $0x0  }
0x24: {  	s3 =	sadd.s32 $0x88, s3;
	s6 =	simm.s32 @!p1 $0x1082;
	[sflag:s4] =	ssyncset.s32 $0xFFFFF086  }
0x25: {  	[simem:s6], [sflag:s4] =	dma.local [hbm:s3], $0xF7A  }
0x26: {  	[smem:$0x3F98] =	sst s1;
	(tag) =	ssettag s2;
	_ =	strace s9  }
0x27: {  	s1 =	sld [smem:$0x3FA8]  }
0x28: {  	s2 =	sld [smem:$0x3FA9]  }
0x29: {  	s4 =	sld [smem:$0x3FAB]  }
0x2a: {  	p0 =	seq.s32 s5, $0x0;
	s5 =	sld [smem:$0x3FAC]  }
0x2b: {  	s6 =	sld [smem:$0x3FAD]  }
0x2c: {  	s7 =	sld [smem:$0x3FAE]  }
0x2d: {  	s3 =	simm.s32 $0x108;
	s8 =	sld [smem:$0x3FAF]  }
0x2e: {  	s3 =	simm.s32 @!p0 $0x1082;
	s9 =	sld [smem:$0x3FB0]  }
0x2f: {  	lr =	sadd.s32 s0, s3;
	s0 =	sld [smem:$0x3FA7]  }
0x30: {  	s3 =	sld [smem:$0x3FAA]  }
0x31: {  	[smem:$0x3FB3] =	sst s10  }
0x32: {  	s10 =	sld [smem:$0x3FB1];
	_ =	sdelay $0x3  }
0x33: {  	p0 =	seq.s32 s10, $0x1;
	s10 =	sld [smem:$0x3FB3];
	_ =	sdelay $0x3  }
0x34: {  	[smem:$0x3FB3] =	sst s10  }
0x35: {  	s10 =	sld [smem:$0x3FB2];
	_ =	sdelay $0x3  }
0x36: {  	p1 =	seq.s32 s10, $0x1;
	s10 =	sld [smem:$0x3FB3];
	_ =	sdelay $0x3  }
0x37: {  	[smem:$0x3FB3] =	sst s10  }
0x38: {  	s10 =	sld [smem:$0x3FB4]  }
0x39: {  	_ = 	snop;
	(pc) =	sbr.ind lr, $3  }
0x3a: {  	_ = 	snop  }
0x3b: {  	_ = 	snop  }
0x3c: {  	p2 =	seq.s32 s10, $0x1;
	s10 =	sld [smem:$0x3FB3]  }
0x3d: {  	_ =	shalt  }
0x3e: {  	_ =	shalt  }
0x3f: {  	_ =	shalt  }
0x40: {  	_ =	shalt  }
0x41: {  	_ =	shalt  }
0x42: {  	_ =	shalt  }
0x43: {  	_ =	shalt  }
0x44: {  	_ =	shalt  }
0x45: {  	_ =	shalt  }
0x46: {  	_ =	shalt  }
0x47: {  	_ =	shalt  }
0x48: {  	_ =	shalt  }
0x49: {  	_ =	shalt  }
0x4a: {  	_ =	shalt  }
0x4b: {  	_ =	shalt  }
0x4c: {  	_ =	shalt  }
0x4d: {  	_ =	shalt  }
0x4e: {  	_ =	shalt  }
0x4f: {  	_ =	shalt  }
0x50: {  	_ =	shalt  }
0x51: {  	_ =	shalt  }
0x52: {  	_ =	shalt  }
0x53: {  	_ =	shalt  }
0x54: {  	_ =	shalt  }
0x55: {  	_ =	shalt  }
0x56: {  	_ =	shalt  }
0x57: {  	_ =	shalt  }
0x58: {  	_ =	shalt  }
0x59: {  	_ =	shalt  }
0x5a: {  	_ =	shalt  }
0x5b: {  	_ =	shalt  }
0x5c: {  	_ =	shalt  }
0x5d: {  	_ =	shalt  }
0x5e: {  	_ =	shalt  }
0x5f: {  	_ =	shalt  }
0x60: {  	_ =	shalt  }
0x61: {  	_ =	shalt  }
0x62: {  	_ =	shalt  }
0x63: {  	_ =	shalt  }
0x64: {  	_ =	shalt  }
0x65: {  	_ =	shalt  }
0x66: {  	_ =	shalt  }
0x67: {  	_ =	shalt  }
0x68: {  	_ =	shalt  }
0x69: {  	_ =	shalt  }
0x6a: {  	_ =	shalt  }
0x6b: {  	_ =	shalt  }
0x6c: {  	_ =	shalt  }
0x6d: {  	_ =	shalt  }
0x6e: {  	_ =	shalt  }
0x6f: {  	_ =	shalt  }
0x70: {  	_ =	shalt  }
0x71: {  	_ =	shalt  }
0x72: {  	_ =	shalt  }
0x73: {  	_ =	shalt  }
0x74: {  	_ =	shalt  }
0x75: {  	_ =	shalt  }
0x76: {  	_ =	shalt  }
0x77: {  	_ =	shalt  }
0x78: {  	_ =	shalt  }
0x79: {  	_ =	shalt  }
0x7a: {  	_ =	shalt  }
0x7b: {  	_ =	shalt  }
0x7c: {  	_ =	shalt  }
0x7d: {  	_ =	shalt  }
0x7e: {  	_ =	shalt  }
0x7f: {  	_ =	shalt  }
0x80: {  	_ =	shalt  }
0x81: {  	_ =	shalt  }
0x82: {  	_ =	shalt  }
0x83: {  	_ =	shalt  }
0x84: {  	_ =	shalt  }
0x85: {  	_ =	shalt  }
0x86: {  	_ =	shalt  }
0x87: {  	_ =	shalt  }
.Lfunc_end0:
.L_simem_size_0:
called_computation.1_lowered:
.L_overlay_start_0:
0x88: {  	s2 =	sld [smem:$0x3FD9]  }
0x89: {  	s3 =	sld [smem:$0x3FFE];
	_ =	sdelay $0x1  }
0x8a: {  	s1 =	srdreg.scid  }
0x8b: {  	s0 =	sand.u32 $0x1, s1  }
0x8c: {  	s17 =	sshll.u32 s0, $0xA;
	s2 =	sadd.s32 s3, s2  }
0x8d: {  	s2 =	sadd.s32 s2, s17  }
0x8e: {  	[smem:$0x3FBF] =	sst s2  }
0x8f: {  	_ = 	snop  }
0x90: {  	s2 =	sld [smem:$0x3FD0];
	(tm) =	ssettm $0x1  }
0x91: {  	s18 =	sld [smem:$0x3FFB];
	_ =	sdelay $0x3  }
0x92: {  	_ =	strace s18  }
0x93: {  	s3 =	sld [smem:$0x3FFC];
	_ =	sdelay $0x3  }
0x94: {  	_ =	strace s3  }
0x95: {  	s3 =	sld [smem:$0x3FFD];
	_ =	sdelay $0x3  }
0x96: {  	_ =	strace s3  }
0x97: {  	_ =	strace $0x8FFFFFFF  }
0x98: {  	s19 =	sld [smem:$0x3FDB];
	_ =	sdelay $0x1  }
0x99: {  	s4 =	simm.s32 $_scs_section_size  }
0x9a: {  	s5 =	simm.s32 $_size__tile_overlayer_lowered;
	s6 =	simm.s32 $_tile_overlayer_lowered  }
0x9b: {  	s22 =	simm.s32 $0x1BFF;
	s21 =	sshll.u32 s6, $0x1;
	s3 =	sadd.s32 s4, s19  }
0x9c: {  	s7 =	simm.s32 $0x0;
	s20 =	sshll.u32 s5, $0x1;
	s5 =	sadd.s32 s21, s3  }
0x9d: {  	[timem:s7], [sflag:s22] =	dma.local [hbm:s5], s20  }
0x9e: {  	_ =	swait.ge [sflag:s22], s20  }
0x9f: {  	s4 =	ssub.s32 $0x0, s20;
	[sflag:s22] =	ssyncset.done $0x0  }
0xa0: {  	[sflag:s22] =	ssyncadd.s32 s4;
	_ =	sdelay $0x1  }
0xa1: {  	s23 =	simm.s32 $0x1B8B  }
0xa2: {  	_ =	swait.ge [sflag:s23], $0x1  }
0xa3: {  	[sflag:s23] =	ssyncset.done $0x0  }
0xa4: {  	s25 =	simm.s32 $0x1B8E;
	s24 =	sld [smem:$0x3FFE];
	[sflag:s23] =	ssyncadd.s32 $0xFFFFFFFF  }
0xa5: {  	s26 =	simm.s32 $execute0_lowered;
	[smem:$0x3FD2] =	sst s25  }
0xa6: {  	s5 =	sshll.u32 s26, $0x1;
	_ =	strace $0x80000049;
	[dreg:$0x1] =	wrdreg $0xFFFFFFFF  }
0xa7: {  	s28 =	simm.s32 $_size_execute0_lowered;
	s3 =	sadd.s32 s3, s5;
	[dreg:$0x0] =	wrdreg $0x0  }
0xa8: {  	s5 =	sshll.u32 s28, $0x1;
	[dreg:$0x2] =	wrdreg s3  }
0xa9: {  	[dreg:$0x3] =	wrdreg s5  }
0xaa: {  	[dreg:$0x4] =	wrdreg $0xC0  }
0xab: {  	_ =	task [dreg:s7], $0x5FFFF  }
0xac: {  	[dreg:$0x1] =	wrdreg $0xFFFFFFFF  }
0xad: {  	[dreg:$0x0] =	wrdreg $0x60  }
0xae: {  	[dreg:$0x2] =	wrdreg s2  }
0xaf: {  	[dreg:$0x3] =	wrdreg s24  }
0xb0: {  	[dreg:$0x4] =	wrdreg $0x41000  }
0xb1: {  	[dreg:$0x5] =	wrdreg $0x9  }
0xb2: {  	_ =	task.clear_ibuf [dreg:s7], $0x6FFFF;
	_ =	strace $0x90000049  }
0xb3: {  	s29 =	simm.s32 $0x9;
	_ =	strace $0x8000004B  }
0xb4: {  	_ =	swait.ge [sflag:s29], $0x1  }
0xb5: {  	[sflag:s29] =	ssyncadd.s32 $0xFFFFFFFF  }
0xb6: {  	_ =	strace $0x9000004B  }
0xb7: {  	_ =	sfence  }
0xb8: {  	s30 =	sld [smem:$0x0];
	_ =	sdelay $0x2  }
0xb9: {  	s31 =	sshll.u32 s1, $0xD;
	s1 =	sshrl.u32 s1, $0x2  }
0xba: {  	s3 =	sand.u32 $0x4000, s31;
	s1 =	sadd.s32 s1, s30  }
0xbb: {  	s0 =	sor.u32 s3, s0;
	s1 =	sshll.u32 s1, $0x11  }
0xbc: {  	s0 =	sor.u32 s1, s0  }
0xbd: {  	s0 =	sadd.s32 $0x8F2B, s0  }
0xbe: {  	[sflag:s0] =	ssyncadd.remote.s32 $0x1  }
0xbf: {  	_ =	sfence.sel $0xFFFF  }
0xc0: {  	[dreg:$0x0] =	wrdreg $0xFFFFFFFF;
	(pc) =	sbr.abs _section_cstart, $3  }
0xc1: {  	[dreg:$0x1] =	wrdreg $0xFFFFFFFF  }
0xc2: {  	_ =	task.clear_ibuf [dreg:s7], $0x2FFFF;
	_ =	strace $0x9FFFFFFF  }
0xc3: {  	(tm) =	ssettm $0x7FFFFFFF  }
tec
execute0_lowered:
.L_overlay_start_1:
0x0: {  	(tag) =	ssettag $0x1  }
0x1: {  	s0 =	srdreg.scid;
	s1 =	rddreg [dreg:$0x0]  }
0x2: {  	s6 =	rddreg [dreg:$0x1];
	s5 =	sand.u32 $0x1, s0  }
0x3: {  	s0 =	stileid.u32;
	s4 =	smul.u32 $0x4E0, s5  }
0x4: {  	s3 =	rddreg [dreg:$0x2];
	s14 =	simm.s32 $0x80;
	s7 =	smul.u32 $0x4E, s0  }
0x5: {  	s15 =	simm.s32 $0x100;
	s16 =	simm.s32 $0x1;
	s26 =	smul.u32 $0x13C00, s0  }
0x6: {  	s17 =	simm.s32 $0x0;
	s2 =	sshll.u32 s5, $0x4;
	s10 =	smul.u32 $0x13C000, s5  }
0x7: {  	s29 =	smul.u32 $0x4F000, s0;
	s5 =	ssub.s32 $0x2, s5;
	s31 =	sshll.u32 s0, $0x6  }
0x8: {  	s8 =	sor.u32 s0, s2;
	s2 =	rddreg [dreg:$0x3];
	s30 =	sshrl.u32 s5, $0x1  }
0x9: {  	s7 =	sadd.s32 s7, s4;
	s9 =	smin.u32 s8, $0x4;
	s4 =	simm.s32 $0x0  }
0xa: {  	s28 =	sshrl.u32 s26, $0x3;
	s12 =	ssub.s32 s5, s30;
	p0 =	slt.u32 s8, $0x4  }
0xb: {  	s7 =	sadd.s32 s9, s7;
	[smem:$0x7FF] =	sst s4;
	s9 =	sadd.s32 s26, s10  }
0xc: {  	s10 =	sshrl.u32 s29, $0x2;
	s7 =	sshll.u32 s7, $0x4;
	_ =	strace $0x8000004A  }
0xd: {  	s9 =	sshrl.u32 s9, $0x3;
	s13 =	sadd.s32 s10, s3;
	s11 =	sadd.s32 s7, s6  }
0xe: {  	s7 =	sadd.s32 s28, s6;
	s9 =	sadd.s32 s9, s6;
	s6 =	simm.s32 $0x4F  }
0xf: {  	s5 =	sadd.s32 $0x16000, s7;
	s7 =	sor.u32 $0x1C02, s31;
	s6 =	simm.s32 @!p0 $0x4E  }
0x10: {  	s8 =	sadd.s32 $0x3D800, s9;
	s9 =	smax.u32 s12, $0x1;
	s10 =	sadd.s32 $0x2400, s11  }
0x11: {  	s11 =	sadd.s32 $0xC200, s11;
	s12 =	sshrl.u32 s13, $0x3;
	s13 =	simm.s32 $0x2  }
.LBB2_1:
0x12: {  	[spmem:s12], [sflag:s7] =	dma.local [hbm:s5], $0x2780  }
0x13: {  	_ =	swait.ge [sflag:s13], $0x2780  }
0x14: {  	[sflag:s13] =	ssyncset.done $0x0  }
0x15: {  	[sflag:s13] =	ssyncadd.s32 $0xFFFFD880  }
0x16: {  	[bflag:$0x0] =	sbarrier.arrive $0xFFFF  }
0x17: {  	[tilespmem:s4], [sflag:$0x2] =	stream.linear.gather [hbm4b:s10+s4], $0x80, $0x38;
	[tilespmem:$0x17D00] =	vst v63  }
0x18: {  	_ =	swait.ge [sflag:s13], $0x80  }
0x19: {  	[sflag:s13] =	ssyncset.done $0x0  }
0x1a: {  	[sflag:s13] =	ssyncadd.s32 $0xFFFFFF80  }
0x1b: {  	[tilespmem:s14], [sflag:$0x2] =	stream.linear.gather [hbm4b:s11+s4], $0x80, $0x38;
	[tilespmem:$0x17D00] =	vst v63  }
0x1c: {  	_ =	swait.ge [sflag:s13], $0x80  }
0x1d: {  	[sflag:s13] =	ssyncset.done $0x0  }
0x1e: {  	[sflag:s13] =	ssyncadd.s32 $0xFFFFFF80  }
0x1f: {  	[tilespmem:s15], [sflag:$0x1] =	stream.indirect.gather [hbm4b:s1+s14], $0x80, s4, s14, $0xb8;
	[tilespmem:$0x17D00] =	vst v63  }
0x20: {  	p0 =	sne.s32 s6, $0x1;
	_ =	swait.ge [sflag:s16], $0x4000  }
.Ltmp0:
0x21: {  	[sflag:s16] =	ssyncset.done $0x0;
	(pc) =	sbr.rel @!p0 .LBB2_3-.Ltmp0, $4  }
0x22: {  	[sflag:s16] =	ssyncadd.s32 $0xFFFFC000  }
0x23: {  	[spmem:s3] =	stream.indirect.scatter.add.f32 [tilespmem:s15], [sflag:$0x2], $0x80, s14, s14, $0xb8;
	[tilespmem:$0x17D00] =	vst v63  }
0x24: {  	s18 =	sadd.s32 $0xFFFFFFFF, s6;
	_ =	swait.ge [sflag:s13], $0x4000  }
0x25: {  	s19 =	smov.u32 s10;
	s20 =	smov.u32 s11;
	[sflag:s13] =	ssyncset.done $0x0  }
.LBB2_2:
0x26: {  	[sflag:s13] =	ssyncadd.s32 $0xFFFFC000;
	s19 =	sadd.s32 $0x10, s19;
	s20 =	sadd.s32 $0x10, s20  }
0x27: {  	[tilespmem:s4], [sflag:$0x2] =	stream.linear.gather [hbm4b:s19+s4], $0x80, $0x38;
	[tilespmem:$0x17D00] =	vst v63  }
0x28: {  	p0 =	sne.s32 s18, $0x1;
	s18 =	sadd.s32 $0xFFFFFFFF, s18;
	_ =	swait.ge [sflag:s13], $0x80  }
0x29: {  	[sflag:s13] =	ssyncset.done $0x0  }
0x2a: {  	[sflag:s13] =	ssyncadd.s32 $0xFFFFFF80  }
0x2b: {  	[tilespmem:s14], [sflag:$0x2] =	stream.linear.gather [hbm4b:s20+s4], $0x80, $0x38;
	[tilespmem:$0x17D00] =	vst v63  }
0x2c: {  	_ =	swait.ge [sflag:s13], $0x80  }
0x2d: {  	[sflag:s13] =	ssyncset.done $0x0  }
0x2e: {  	[sflag:s13] =	ssyncadd.s32 $0xFFFFFF80  }
0x2f: {  	[tilespmem:s15], [sflag:$0x1] =	stream.indirect.gather [hbm4b:s1+s14], $0x80, s4, s14, $0xb8;
	[tilespmem:$0x17D00] =	vst v63  }
0x30: {  	_ =	swait.ge [sflag:s16], $0x4000  }
.Ltmp1:
0x31: {  	[sflag:s16] =	ssyncset.done $0x0;
	(pc) =	sbr.rel @p0 .LBB2_2-.Ltmp1, $4  }
0x32: {  	[sflag:s16] =	ssyncadd.s32 $0xFFFFC000  }
0x33: {  	[spmem:s3] =	stream.indirect.scatter.add.f32 [tilespmem:s15], [sflag:$0x2], $0x80, s14, s14, $0xb8;
	[tilespmem:$0x17D00] =	vst v63  }
0x34: {  	_ =	swait.ge [sflag:s13], $0x4000  }
0x35: {  	[sflag:s13] =	ssyncset.done $0x0  }
.LBB2_3:
0x36: {  	s17 =	sadd.s32 $0x1, s17  }
0x37: {  	[sflag:s13] =	ssyncadd.s32 $0xFFFFC000;
	p0 =	sne.s32 s17, s9  }
.Ltmp2:
0x38: {  	[bflag:$0x0] =	sbarrier.arrive $0xFFFF;
	(pc) =	sbr.rel @p0 .LBB2_1-.Ltmp2, $4  }
0x39: {  	[hbm:s8], [sflag:s7] =	dma.local [spmem:s12], $0x2780  }
0x3a: {  	_ =	swait.ge [sflag:s13], $0x2780  }
0x3b: {  	[sflag:s13] =	ssyncset.done $0x0  }
0x3c: {  	[sflag:s13] =	ssyncadd.s32 $0xFFFFD880  }
0x3d: {  	_ =	sfence.sel $0x180000  }
0x3e: {  	[bflag:$0x0] =	sbarrier.arrive $0xFFFF  }
0x3f: {  	p0 =	sne.s32 s0, $0x0;
	_ =	strace $0x9000004A  }
0x40: {  	s0 =	sadd.s32 @!p0 $0x100000, s2;
	[bflag:$0x2] =	sbarrier.arrive $0xFFFF  }
0x41: {  	[sflag:s0] =	ssyncadd.tile.s32 @!p0 $0x1;
	_ =	shalt  }
.Lfunc_end2:
_tile_overlayer_lowered:
.L_overlay_start_2:
0x42: {  	(tag) =	ssettag $0x2  }
0x43: {  	s0 =	rddreg [dreg:$0x0];
	s2 =	stileid.u32  }
0x44: {  	s1 =	rddreg [dreg:$0x1];
	p0 =	sne.s32 s2, $0x0  }
0x45: {  	s3 =	rddreg [dreg:$0x2];
	[bflag:$0x3] =	sbarrier.arrive $0xFFFF;
	s2 =	simm.s32 @!p0 $0x1C02  }
0x46: {  	[timem:s3], [sflag:s2] =	dma.local @!p0 [hbm:s0], s1  }
0x47: {  	s0 =	simm.s32 @!p0 $0x2  }
0x48: {  	_ =	swait.ge @!p0 [sflag:s0], s1  }
0x49: {  	s1 =	ssub.s32 @!p0 $0x0, s1;
	[sflag:s0] =	ssyncset.done @!p0 $0x0  }
0x4a: {  	[sflag:s0] =	ssyncadd.s32 @!p0 s1  }
0x4b: {  	[bflag:$0x3] =	sbarrier.arrive $0xFFFF  }
0x4c: {  	_ =	shalt  }

// kernel: kernel.16.cloned.1.call-start
scs
__scs_entry_jumppad:
0x0: {  	(pc) =	sbr.rel $0x88, $3  }
0x1: {  	(tag) =	ssettag $0x0;
	lr =	simm.s32 $0x1  }
0x2: {  	[smem:$0x3F98] =	sst lr;
	_ =	strace $0xD0000000  }
0x3: {  	_ = 	snop  }
0x4: {  	_ = 	snop  }
0x5: {  	_ = 	snop  }
0x6: {  	_ = 	snop  }
0x7: {  	_ = 	snop  }
__scs_overlays_trampoline_lowered:
0x8: {  	[smem:$0x3FA7] =	sst s0  }
0x9: {  	[smem:$0x3FA8] =	sst s1  }
0xa: {  	[smem:$0x3FA9] =	sst s2  }
0xb: {  	[smem:$0x3FAA] =	sst s3  }
0xc: {  	[smem:$0x3FAB] =	sst s4  }
0xd: {  	[smem:$0x3FAC] =	sst s5  }
0xe: {  	[smem:$0x3FAD] =	sst s6  }
0xf: {  	[smem:$0x3FAE] =	sst s7  }
0x10: {  	[smem:$0x3FAF] =	sst s8  }
0x11: {  	[smem:$0x3FB0] =	sst s9;
	s0 =	simm.s32 @!p0 $0x0  }
0x12: {  	s1 =	sld [smem:$0x3F96];
	s0 =	simm.s32 @p0 $0x1  }
0x13: {  	[smem:$0x3FB1] =	sst s0;
	s0 =	simm.s32 @!p1 $0x0  }
0x14: {  	s2 =	sld [smem:$0x3F95];
	s0 =	simm.s32 @p1 $0x1  }
0x15: {  	[smem:$0x3FB2] =	sst s0;
	s0 =	simm.s32 @!p2 $0x0  }
0x16: {  	s3 =	sld [smem:$0x3FDB];
	s0 =	simm.s32 @p2 $0x1  }
0x17: {  	s4 =	simm.s32 $0x1BF5;
	[smem:$0x3FB4] =	sst s0  }
0x18: {  	s0 =	sld [smem:$0x3F97];
	_ =	swait.ge [sflag:s4], $0x0  }
0x19: {  	s7 =	sld [smem:$0x3F98]  }
0x1a: {  	s8 =	sadd.s32 $0xFFFFE003, lr  }
0x1b: {  	s9 =	sadd.s32 $0xFFFFFEF7, lr;
	s5 =	simm.s32 $0xFFFFFFFF;
	p2 =	slt.u32 s8, $0xFFFFF086  }
0x1c: {  	p1 =	slt.u32 s9, $0xF7A;
	s5 =	simm.s32 @!p2 $0x0  }
0x1d: {  	s5 =	simm.s32 @p1 $0x1;
	p0 =	seq.s32 s7, s2  }
0x1e: {  	s7 =	smul.u32 @!p0 $0xF7A, s2;
	p2 =	seq.s32 @!p0 s5, $0x0  }
0x1f: {  	s9 =	smul.u32 $0xF7A, s1;
	s8 =	simm.s32 @!p0 $0x1BF5;
	p2 =	por !p2, p0  }
0x20: {  	[sflag:s8] =	ssyncset.s32 @!p0 $0xFFFFF086;
	s6 =	sadd.s32 @!p0 s3, s7;
	s7 =	simm.s32 @!p0 $0x108  }
0x21: {  	s3 =	sadd.s32 s3, s9;
	s6 =	sadd.s32 @!p0 $0x88, s6;
	s7 =	simm.s32 @p2 $0x1082  }
0x22: {  	[simem:s7], [sflag:s8] =	dma.local @!p0 [hbm:s6], $0xF7A  }
0x23: {  	s9 =	sor.u32 $0xD0000000, s2;
	s6 =	simm.s32 $0x108;
	_ =	swait.ge @!p0 [sflag:s8], $0x0  }
0x24: {  	s3 =	sadd.s32 $0x88, s3;
	s6 =	simm.s32 @!p1 $0x1082;
	[sflag:s4] =	ssyncset.s32 $0xFFFFF086  }
0x25: {  	[simem:s6], [sflag:s4] =	dma.local [hbm:s3], $0xF7A  }
0x26: {  	[smem:$0x3F98] =	sst s1;
	(tag) =	ssettag s2;
	_ =	strace s9  }
0x27: {  	s1 =	sld [smem:$0x3FA8]  }
0x28: {  	s2 =	sld [smem:$0x3FA9]  }
0x29: {  	s4 =	sld [smem:$0x3FAB]  }
0x2a: {  	p0 =	seq.s32 s5, $0x0;
	s5 =	sld [smem:$0x3FAC]  }
0x2b: {  	s6 =	sld [smem:$0x3FAD]  }
0x2c: {  	s7 =	sld [smem:$0x3FAE]  }
0x2d: {  	s3 =	simm.s32 $0x108;
	s8 =	sld [smem:$0x3FAF]  }
0x2e: {  	s3 =	simm.s32 @!p0 $0x1082;
	s9 =	sld [smem:$0x3FB0]  }
0x2f: {  	lr =	sadd.s32 s0, s3;
	s0 =	sld [smem:$0x3FA7]  }
0x30: {  	s3 =	sld [smem:$0x3FAA]  }
0x31: {  	[smem:$0x3FB3] =	sst s10  }
0x32: {  	s10 =	sld [smem:$0x3FB1];
	_ =	sdelay $0x3  }
0x33: {  	p0 =	seq.s32 s10, $0x1;
	s10 =	sld [smem:$0x3FB3];
	_ =	sdelay $0x3  }
0x34: {  	[smem:$0x3FB3] =	sst s10  }
0x35: {  	s10 =	sld [smem:$0x3FB2];
	_ =	sdelay $0x3  }
0x36: {  	p1 =	seq.s32 s10, $0x1;
	s10 =	sld [smem:$0x3FB3];
	_ =	sdelay $0x3  }
0x37: {  	[smem:$0x3FB3] =	sst s10  }
0x38: {  	s10 =	sld [smem:$0x3FB4]  }
0x39: {  	_ = 	snop;
	(pc) =	sbr.ind lr, $3  }
0x3a: {  	_ = 	snop  }
0x3b: {  	_ = 	snop  }
0x3c: {  	p2 =	seq.s32 s10, $0x1;
	s10 =	sld [smem:$0x3FB3]  }
0x3d: {  	_ =	shalt  }
0x3e: {  	_ =	shalt  }
0x3f: {  	_ =	shalt  }
0x40: {  	_ =	shalt  }
0x41: {  	_ =	shalt  }
0x42: {  	_ =	shalt  }
0x43: {  	_ =	shalt  }
0x44: {  	_ =	shalt  }
0x45: {  	_ =	shalt  }
0x46: {  	_ =	shalt  }
0x47: {  	_ =	shalt  }
0x48: {  	_ =	shalt  }
0x49: {  	_ =	shalt  }
0x4a: {  	_ =	shalt  }
0x4b: {  	_ =	shalt  }
0x4c: {  	_ =	shalt  }
0x4d: {  	_ =	shalt  }
0x4e: {  	_ =	shalt  }
0x4f: {  	_ =	shalt  }
0x50: {  	_ =	shalt  }
0x51: {  	_ =	shalt  }
0x52: {  	_ =	shalt  }
0x53: {  	_ =	shalt  }
0x54: {  	_ =	shalt  }
0x55: {  	_ =	shalt  }
0x56: {  	_ =	shalt  }
0x57: {  	_ =	shalt  }
0x58: {  	_ =	shalt  }
0x59: {  	_ =	shalt  }
0x5a: {  	_ =	shalt  }
0x5b: {  	_ =	shalt  }
0x5c: {  	_ =	shalt  }
0x5d: {  	_ =	shalt  }
0x5e: {  	_ =	shalt  }
0x5f: {  	_ =	shalt  }
0x60: {  	_ =	shalt  }
0x61: {  	_ =	shalt  }
0x62: {  	_ =	shalt  }
0x63: {  	_ =	shalt  }
0x64: {  	_ =	shalt  }
0x65: {  	_ =	shalt  }
0x66: {  	_ =	shalt  }
0x67: {  	_ =	shalt  }
0x68: {  	_ =	shalt  }
0x69: {  	_ =	shalt  }
0x6a: {  	_ =	shalt  }
0x6b: {  	_ =	shalt  }
0x6c: {  	_ =	shalt  }
0x6d: {  	_ =	shalt  }
0x6e: {  	_ =	shalt  }
0x6f: {  	_ =	shalt  }
0x70: {  	_ =	shalt  }
0x71: {  	_ =	shalt  }
0x72: {  	_ =	shalt  }
0x73: {  	_ =	shalt  }
0x74: {  	_ =	shalt  }
0x75: {  	_ =	shalt  }
0x76: {  	_ =	shalt  }
0x77: {  	_ =	shalt  }
0x78: {  	_ =	shalt  }
0x79: {  	_ =	shalt  }
0x7a: {  	_ =	shalt  }
0x7b: {  	_ =	shalt  }
0x7c: {  	_ =	shalt  }
0x7d: {  	_ =	shalt  }
0x7e: {  	_ =	shalt  }
0x7f: {  	_ =	shalt  }
0x80: {  	_ =	shalt  }
0x81: {  	_ =	shalt  }
0x82: {  	_ =	shalt  }
0x83: {  	_ =	shalt  }
0x84: {  	_ =	shalt  }
0x85: {  	_ =	shalt  }
0x86: {  	_ =	shalt  }
0x87: {  	_ =	shalt  }
.Lfunc_end0:
.L_simem_size_0:
called_computation.2_lowered:
.L_overlay_start_0:
0x88: {  	s2 =	sld [smem:$0x3FD9]  }
0x89: {  	s3 =	sld [smem:$0x3FFE];
	_ =	sdelay $0x1  }
0x8a: {  	s1 =	srdreg.scid  }
0x8b: {  	s0 =	sand.u32 $0x1, s1  }
0x8c: {  	s17 =	sshll.u32 s0, $0xA;
	s2 =	sadd.s32 s3, s2  }
0x8d: {  	s2 =	sadd.s32 s2, s17  }
0x8e: {  	[smem:$0x3FBF] =	sst s2  }
0x8f: {  	_ = 	snop  }
0x90: {  	s2 =	sld [smem:$0x3FD0];
	(tm) =	ssettm $0x1  }
0x91: {  	s18 =	sld [smem:$0x3FFB];
	_ =	sdelay $0x3  }
0x92: {  	_ =	strace s18  }
0x93: {  	s3 =	sld [smem:$0x3FFC];
	_ =	sdelay $0x3  }
0x94: {  	_ =	strace s3  }
0x95: {  	s3 =	sld [smem:$0x3FFD];
	_ =	sdelay $0x3  }
0x96: {  	_ =	strace s3  }
0x97: {  	_ =	strace $0x8FFFFFFF  }
0x98: {  	s19 =	sld [smem:$0x3FDB];
	_ =	sdelay $0x1  }
0x99: {  	s4 =	simm.s32 $_scs_section_size  }
0x9a: {  	s5 =	simm.s32 $_size__tile_overlayer_lowered;
	s6 =	simm.s32 $_tile_overlayer_lowered  }
0x9b: {  	s22 =	simm.s32 $0x1BFF;
	s21 =	sshll.u32 s6, $0x1;
	s3 =	sadd.s32 s4, s19  }
0x9c: {  	s7 =	simm.s32 $0x0;
	s20 =	sshll.u32 s5, $0x1;
	s5 =	sadd.s32 s21, s3  }
0x9d: {  	[timem:s7], [sflag:s22] =	dma.local [hbm:s5], s20  }
0x9e: {  	_ =	swait.ge [sflag:s22], s20  }
0x9f: {  	s4 =	ssub.s32 $0x0, s20;
	[sflag:s22] =	ssyncset.done $0x0  }
0xa0: {  	[sflag:s22] =	ssyncadd.s32 s4;
	_ =	sdelay $0x1  }
0xa1: {  	s23 =	simm.s32 $0x1B8B  }
0xa2: {  	_ =	swait.ge [sflag:s23], $0x1  }
0xa3: {  	[sflag:s23] =	ssyncset.done $0x0  }
0xa4: {  	s25 =	simm.s32 $0x1B8E;
	s24 =	sld [smem:$0x3FFE];
	[sflag:s23] =	ssyncadd.s32 $0xFFFFFFFF  }
0xa5: {  	s26 =	simm.s32 $execute0_lowered;
	[smem:$0x3FD2] =	sst s25  }
0xa6: {  	s5 =	sshll.u32 s26, $0x1;
	_ =	strace $0x8000004C;
	[dreg:$0x1] =	wrdreg $0xFFFFFFFF  }
0xa7: {  	s28 =	simm.s32 $_size_execute0_lowered;
	s3 =	sadd.s32 s3, s5;
	[dreg:$0x0] =	wrdreg $0x0  }
0xa8: {  	s5 =	sshll.u32 s28, $0x1;
	[dreg:$0x2] =	wrdreg s3  }
0xa9: {  	[dreg:$0x3] =	wrdreg s5  }
0xaa: {  	[dreg:$0x4] =	wrdreg $0xC0  }
0xab: {  	_ =	task [dreg:s7], $0x5FFFF  }
0xac: {  	[dreg:$0x1] =	wrdreg $0xFFFFFFFF  }
0xad: {  	[dreg:$0x0] =	wrdreg $0x60  }
0xae: {  	[dreg:$0x2] =	wrdreg s2  }
0xaf: {  	[dreg:$0x3] =	wrdreg s24  }
0xb0: {  	[dreg:$0x4] =	wrdreg $0x41000  }
0xb1: {  	[dreg:$0x5] =	wrdreg $0x9  }
0xb2: {  	_ =	task.clear_ibuf [dreg:s7], $0x6FFFF;
	_ =	strace $0x9000004C  }
0xb3: {  	s29 =	simm.s32 $0x9;
	_ =	strace $0x8000004E  }
0xb4: {  	_ =	swait.ge [sflag:s29], $0x1  }
0xb5: {  	[sflag:s29] =	ssyncadd.s32 $0xFFFFFFFF  }
0xb6: {  	_ =	strace $0x9000004E  }
0xb7: {  	_ =	sfence  }
0xb8: {  	s30 =	sld [smem:$0x0];
	_ =	sdelay $0x2  }
0xb9: {  	s31 =	sshll.u32 s1, $0xD;
	s1 =	sshrl.u32 s1, $0x2  }
0xba: {  	s3 =	sand.u32 $0x4000, s31;
	s1 =	sadd.s32 s1, s30  }
0xbb: {  	s0 =	sor.u32 s3, s0;
	s1 =	sshll.u32 s1, $0x11  }
0xbc: {  	s0 =	sor.u32 s1, s0  }
0xbd: {  	s0 =	sadd.s32 $0x8F2B, s0  }
0xbe: {  	[sflag:s0] =	ssyncadd.remote.s32 $0x1  }
0xbf: {  	_ =	sfence.sel $0xFFFF  }
0xc0: {  	[dreg:$0x0] =	wrdreg $0xFFFFFFFF;
	(pc) =	sbr.abs _section_cstart, $3  }
0xc1: {  	[dreg:$0x1] =	wrdreg $0xFFFFFFFF  }
0xc2: {  	_ =	task.clear_ibuf [dreg:s7], $0x2FFFF;
	_ =	strace $0x9FFFFFFF  }
0xc3: {  	(tm) =	ssettm $0x7FFFFFFF  }
tec
execute0_lowered:
.L_overlay_start_1:
0x0: {  	(tag) =	ssettag $0x1  }
0x1: {  	s0 =	srdreg.scid;
	s1 =	rddreg [dreg:$0x0]  }
0x2: {  	s6 =	rddreg [dreg:$0x1];
	s5 =	sand.u32 $0x1, s0  }
0x3: {  	s0 =	stileid.u32;
	s4 =	smul.u32 $0x4E0, s5  }
0x4: {  	s3 =	rddreg [dreg:$0x2];
	s14 =	simm.s32 $0x80;
	s7 =	smul.u32 $0x4E, s0  }
0x5: {  	s15 =	simm.s32 $0x100;
	s16 =	simm.s32 $0x1;
	s26 =	smul.u32 $0x13C00, s0  }
0x6: {  	s17 =	simm.s32 $0x0;
	s2 =	sshll.u32 s5, $0x4;
	s10 =	smul.u32 $0x13C000, s5  }
0x7: {  	s29 =	smul.u32 $0x4F000, s0;
	s5 =	ssub.s32 $0x2, s5;
	s31 =	sshll.u32 s0, $0x6  }
0x8: {  	s8 =	sor.u32 s0, s2;
	s2 =	rddreg [dreg:$0x3];
	s30 =	sshrl.u32 s5, $0x1  }
0x9: {  	s7 =	sadd.s32 s7, s4;
	s9 =	smin.u32 s8, $0x4;
	s4 =	simm.s32 $0x0  }
0xa: {  	s28 =	sshrl.u32 s26, $0x3;
	s12 =	ssub.s32 s5, s30;
	p0 =	slt.u32 s8, $0x4  }
0xb: {  	s7 =	sadd.s32 s9, s7;
	[smem:$0x7FF] =	sst s4;
	s9 =	sadd.s32 s26, s10  }
0xc: {  	s10 =	sshrl.u32 s29, $0x2;
	s7 =	sshll.u32 s7, $0x4;
	_ =	strace $0x8000004D  }
0xd: {  	s9 =	sshrl.u32 s9, $0x3;
	s13 =	sadd.s32 s10, s3;
	s11 =	sadd.s32 s7, s6  }
0xe: {  	s7 =	sadd.s32 s28, s6;
	s9 =	sadd.s32 s9, s6;
	s6 =	simm.s32 $0x4F  }
0xf: {  	s5 =	sadd.s32 $0x16000, s7;
	s7 =	sor.u32 $0x1C02, s31;
	s6 =	simm.s32 @!p0 $0x4E  }
0x10: {  	s8 =	sadd.s32 $0x3D800, s9;
	s9 =	smax.u32 s12, $0x1;
	s10 =	sadd.s32 $0x2400, s11  }
0x11: {  	s11 =	sadd.s32 $0xC200, s11;
	s12 =	sshrl.u32 s13, $0x3;
	s13 =	simm.s32 $0x2  }
.LBB2_1:
0x12: {  	[spmem:s12], [sflag:s7] =	dma.local [hbm:s5], $0x2780  }
0x13: {  	_ =	swait.ge [sflag:s13], $0x2780  }
0x14: {  	[sflag:s13] =	ssyncset.done $0x0  }
0x15: {  	[sflag:s13] =	ssyncadd.s32 $0xFFFFD880  }
0x16: {  	[bflag:$0x0] =	sbarrier.arrive $0xFFFF  }
0x17: {  	[tilespmem:s4], [sflag:$0x2] =	stream.linear.gather [hbm4b:s10+s4], $0x80, $0x38;
	[tilespmem:$0x17D00] =	vst v63  }
0x18: {  	_ =	swait.ge [sflag:s13], $0x80  }
0x19: {  	[sflag:s13] =	ssyncset.done $0x0  }
0x1a: {  	[sflag:s13] =	ssyncadd.s32 $0xFFFFFF80  }
0x1b: {  	[tilespmem:s14], [sflag:$0x2] =	stream.linear.gather [hbm4b:s11+s4], $0x80, $0x38;
	[tilespmem:$0x17D00] =	vst v63  }
0x1c: {  	_ =	swait.ge [sflag:s13], $0x80  }
0x1d: {  	[sflag:s13] =	ssyncset.done $0x0  }
0x1e: {  	[sflag:s13] =	ssyncadd.s32 $0xFFFFFF80  }
0x1f: {  	[tilespmem:s15], [sflag:$0x1] =	stream.indirect.gather [hbm4b:s1+s14], $0x80, s4, s14, $0xb8;
	[tilespmem:$0x17D00] =	vst v63  }
0x20: {  	p0 =	sne.s32 s6, $0x1;
	_ =	swait.ge [sflag:s16], $0x4000  }
.Ltmp0:
0x21: {  	[sflag:s16] =	ssyncset.done $0x0;
	(pc) =	sbr.rel @!p0 .LBB2_3-.Ltmp0, $4  }
0x22: {  	[sflag:s16] =	ssyncadd.s32 $0xFFFFC000  }
0x23: {  	[spmem:s3] =	stream.indirect.scatter.add.f32 [tilespmem:s15], [sflag:$0x2], $0x80, s14, s14, $0xb8;
	[tilespmem:$0x17D00] =	vst v63  }
0x24: {  	s18 =	sadd.s32 $0xFFFFFFFF, s6;
	_ =	swait.ge [sflag:s13], $0x4000  }
0x25: {  	s19 =	smov.u32 s10;
	s20 =	smov.u32 s11;
	[sflag:s13] =	ssyncset.done $0x0  }
.LBB2_2:
0x26: {  	[sflag:s13] =	ssyncadd.s32 $0xFFFFC000;
	s19 =	sadd.s32 $0x10, s19;
	s20 =	sadd.s32 $0x10, s20  }
0x27: {  	[tilespmem:s4], [sflag:$0x2] =	stream.linear.gather [hbm4b:s19+s4], $0x80, $0x38;
	[tilespmem:$0x17D00] =	vst v63  }
0x28: {  	p0 =	sne.s32 s18, $0x1;
	s18 =	sadd.s32 $0xFFFFFFFF, s18;
	_ =	swait.ge [sflag:s13], $0x80  }
0x29: {  	[sflag:s13] =	ssyncset.done $0x0  }
0x2a: {  	[sflag:s13] =	ssyncadd.s32 $0xFFFFFF80  }
0x2b: {  	[tilespmem:s14], [sflag:$0x2] =	stream.linear.gather [hbm4b:s20+s4], $0x80, $0x38;
	[tilespmem:$0x17D00] =	vst v63  }
0x2c: {  	_ =	swait.ge [sflag:s13], $0x80  }
0x2d: {  	[sflag:s13] =	ssyncset.done $0x0  }
0x2e: {  	[sflag:s13] =	ssyncadd.s32 $0xFFFFFF80  }
0x2f: {  	[tilespmem:s15], [sflag:$0x1] =	stream.indirect.gather [hbm4b:s1+s14], $0x80, s4, s14, $0xb8;
	[tilespmem:$0x17D00] =	vst v63  }
0x30: {  	_ =	swait.ge [sflag:s16], $0x4000  }
.Ltmp1:
0x31: {  	[sflag:s16] =	ssyncset.done $0x0;
	(pc) =	sbr.rel @p0 .LBB2_2-.Ltmp1, $4  }
0x32: {  	[sflag:s16] =	ssyncadd.s32 $0xFFFFC000  }
0x33: {  	[spmem:s3] =	stream.indirect.scatter.add.f32 [tilespmem:s15], [sflag:$0x2], $0x80, s14, s14, $0xb8;
	[tilespmem:$0x17D00] =	vst v63  }
0x34: {  	_ =	swait.ge [sflag:s13], $0x4000  }
0x35: {  	[sflag:s13] =	ssyncset.done $0x0  }
.LBB2_3:
0x36: {  	s17 =	sadd.s32 $0x1, s17  }
0x37: {  	[sflag:s13] =	ssyncadd.s32 $0xFFFFC000;
	p0 =	sne.s32 s17, s9  }
.Ltmp2:
0x38: {  	[bflag:$0x0] =	sbarrier.arrive $0xFFFF;
	(pc) =	sbr.rel @p0 .LBB2_1-.Ltmp2, $4  }
0x39: {  	[hbm:s8], [sflag:s7] =	dma.local [spmem:s12], $0x2780  }
0x3a: {  	_ =	swait.ge [sflag:s13], $0x2780  }
0x3b: {  	[sflag:s13] =	ssyncset.done $0x0  }
0x3c: {  	[sflag:s13] =	ssyncadd.s32 $0xFFFFD880  }
0x3d: {  	_ =	sfence.sel $0x180000  }
0x3e: {  	[bflag:$0x0] =	sbarrier.arrive $0xFFFF  }
0x3f: {  	p0 =	sne.s32 s0, $0x0;
	_ =	strace $0x9000004D  }
0x40: {  	s0 =	sadd.s32 @!p0 $0x100000, s2;
	[bflag:$0x2] =	sbarrier.arrive $0xFFFF  }
0x41: {  	[sflag:s0] =	ssyncadd.tile.s32 @!p0 $0x1;
	_ =	shalt  }
.Lfunc_end2:
_tile_overlayer_lowered:
.L_overlay_start_2:
0x42: {  	(tag) =	ssettag $0x2  }
0x43: {  	s0 =	rddreg [dreg:$0x0];
	s2 =	stileid.u32  }
0x44: {  	s1 =	rddreg [dreg:$0x1];
	p0 =	sne.s32 s2, $0x0  }
0x45: {  	s3 =	rddreg [dreg:$0x2];
	[bflag:$0x3] =	sbarrier.arrive $0xFFFF;
	s2 =	simm.s32 @!p0 $0x1C02  }
0x46: {  	[timem:s3], [sflag:s2] =	dma.local @!p0 [hbm:s0], s1  }
0x47: {  	s0 =	simm.s32 @!p0 $0x2  }
0x48: {  	_ =	swait.ge @!p0 [sflag:s0], s1  }
0x49: {  	s1 =	ssub.s32 @!p0 $0x0, s1;
	[sflag:s0] =	ssyncset.done @!p0 $0x0  }
0x4a: {  	[sflag:s0] =	ssyncadd.s32 @!p0 s1  }
0x4b: {  	[bflag:$0x3] =	sbarrier.arrive $0xFFFF  }
0x4c: {  	_ =	shalt  }

// kernel: kernel.19.cloned.1.call-start
scs
__scs_entry_jumppad:
0x0: {  	(pc) =	sbr.rel $0x88, $3  }
0x1: {  	(tag) =	ssettag $0x0;
	lr =	simm.s32 $0x1  }
0x2: {  	[smem:$0x3F98] =	sst lr;
	_ =	strace $0xD0000000  }
0x3: {  	_ = 	snop  }
0x4: {  	_ = 	snop  }
0x5: {  	_ = 	snop  }
0x6: {  	_ = 	snop  }
0x7: {  	_ = 	snop  }
__scs_overlays_trampoline_lowered:
0x8: {  	[smem:$0x3FA7] =	sst s0  }
0x9: {  	[smem:$0x3FA8] =	sst s1  }
0xa: {  	[smem:$0x3FA9] =	sst s2  }
0xb: {  	[smem:$0x3FAA] =	sst s3  }
0xc: {  	[smem:$0x3FAB] =	sst s4  }
0xd: {  	[smem:$0x3FAC] =	sst s5  }
0xe: {  	[smem:$0x3FAD] =	sst s6  }
0xf: {  	[smem:$0x3FAE] =	sst s7  }
0x10: {  	[smem:$0x3FAF] =	sst s8  }
0x11: {  	[smem:$0x3FB0] =	sst s9;
	s0 =	simm.s32 @!p0 $0x0  }
0x12: {  	s1 =	sld [smem:$0x3F96];
	s0 =	simm.s32 @p0 $0x1  }
0x13: {  	[smem:$0x3FB1] =	sst s0;
	s0 =	simm.s32 @!p1 $0x0  }
0x14: {  	s2 =	sld [smem:$0x3F95];
	s0 =	simm.s32 @p1 $0x1  }
0x15: {  	[smem:$0x3FB2] =	sst s0;
	s0 =	simm.s32 @!p2 $0x0  }
0x16: {  	s3 =	sld [smem:$0x3FDB];
	s0 =	simm.s32 @p2 $0x1  }
0x17: {  	s4 =	simm.s32 $0x1BF5;
	[smem:$0x3FB4] =	sst s0  }
0x18: {  	s0 =	sld [smem:$0x3F97];
	_ =	swait.ge [sflag:s4], $0x0  }
0x19: {  	s7 =	sld [smem:$0x3F98]  }
0x1a: {  	s8 =	sadd.s32 $0xFFFFE003, lr  }
0x1b: {  	s9 =	sadd.s32 $0xFFFFFEF7, lr;
	s5 =	simm.s32 $0xFFFFFFFF;
	p2 =	slt.u32 s8, $0xFFFFF086  }
0x1c: {  	p1 =	slt.u32 s9, $0xF7A;
	s5 =	simm.s32 @!p2 $0x0  }
0x1d: {  	s5 =	simm.s32 @p1 $0x1;
	p0 =	seq.s32 s7, s2  }
0x1e: {  	s7 =	smul.u32 @!p0 $0xF7A, s2;
	p2 =	seq.s32 @!p0 s5, $0x0  }
0x1f: {  	s9 =	smul.u32 $0xF7A, s1;
	s8 =	simm.s32 @!p0 $0x1BF5;
	p2 =	por !p2, p0  }
0x20: {  	[sflag:s8] =	ssyncset.s32 @!p0 $0xFFFFF086;
	s6 =	sadd.s32 @!p0 s3, s7;
	s7 =	simm.s32 @!p0 $0x108  }
0x21: {  	s3 =	sadd.s32 s3, s9;
	s6 =	sadd.s32 @!p0 $0x88, s6;
	s7 =	simm.s32 @p2 $0x1082  }
0x22: {  	[simem:s7], [sflag:s8] =	dma.local @!p0 [hbm:s6], $0xF7A  }
0x23: {  	s9 =	sor.u32 $0xD0000000, s2;
	s6 =	simm.s32 $0x108;
	_ =	swait.ge @!p0 [sflag:s8], $0x0  }
0x24: {  	s3 =	sadd.s32 $0x88, s3;
	s6 =	simm.s32 @!p1 $0x1082;
	[sflag:s4] =	ssyncset.s32 $0xFFFFF086  }
0x25: {  	[simem:s6], [sflag:s4] =	dma.local [hbm:s3], $0xF7A  }
0x26: {  	[smem:$0x3F98] =	sst s1;
	(tag) =	ssettag s2;
	_ =	strace s9  }
0x27: {  	s1 =	sld [smem:$0x3FA8]  }
0x28: {  	s2 =	sld [smem:$0x3FA9]  }
0x29: {  	s4 =	sld [smem:$0x3FAB]  }
0x2a: {  	p0 =	seq.s32 s5, $0x0;
	s5 =	sld [smem:$0x3FAC]  }
0x2b: {  	s6 =	sld [smem:$0x3FAD]  }
0x2c: {  	s7 =	sld [smem:$0x3FAE]  }
0x2d: {  	s3 =	simm.s32 $0x108;
	s8 =	sld [smem:$0x3FAF]  }
0x2e: {  	s3 =	simm.s32 @!p0 $0x1082;
	s9 =	sld [smem:$0x3FB0]  }
0x2f: {  	lr =	sadd.s32 s0, s3;
	s0 =	sld [smem:$0x3FA7]  }
0x30: {  	s3 =	sld [smem:$0x3FAA]  }
0x31: {  	[smem:$0x3FB3] =	sst s10  }
0x32: {  	s10 =	sld [smem:$0x3FB1];
	_ =	sdelay $0x3  }
0x33: {  	p0 =	seq.s32 s10, $0x1;
	s10 =	sld [smem:$0x3FB3];
	_ =	sdelay $0x3  }
0x34: {  	[smem:$0x3FB3] =	sst s10  }
0x35: {  	s10 =	sld [smem:$0x3FB2];
	_ =	sdelay $0x3  }
0x36: {  	p1 =	seq.s32 s10, $0x1;
	s10 =	sld [smem:$0x3FB3];
	_ =	sdelay $0x3  }
0x37: {  	[smem:$0x3FB3] =	sst s10  }
0x38: {  	s10 =	sld [smem:$0x3FB4]  }
0x39: {  	_ = 	snop;
	(pc) =	sbr.ind lr, $3  }
0x3a: {  	_ = 	snop  }
0x3b: {  	_ = 	snop  }
0x3c: {  	p2 =	seq.s32 s10, $0x1;
	s10 =	sld [smem:$0x3FB3]  }
0x3d: {  	_ =	shalt  }
0x3e: {  	_ =	shalt  }
0x3f: {  	_ =	shalt  }
0x40: {  	_ =	shalt  }
0x41: {  	_ =	shalt  }
0x42: {  	_ =	shalt  }
0x43: {  	_ =	shalt  }
0x44: {  	_ =	shalt  }
0x45: {  	_ =	shalt  }
0x46: {  	_ =	shalt  }
0x47: {  	_ =	shalt  }
0x48: {  	_ =	shalt  }
0x49: {  	_ =	shalt  }
0x4a: {  	_ =	shalt  }
0x4b: {  	_ =	shalt  }
0x4c: {  	_ =	shalt  }
0x4d: {  	_ =	shalt  }
0x4e: {  	_ =	shalt  }
0x4f: {  	_ =	shalt  }
0x50: {  	_ =	shalt  }
0x51: {  	_ =	shalt  }
0x52: {  	_ =	shalt  }
0x53: {  	_ =	shalt  }
0x54: {  	_ =	shalt  }
0x55: {  	_ =	shalt  }
0x56: {  	_ =	shalt  }
0x57: {  	_ =	shalt  }
0x58: {  	_ =	shalt  }
0x59: {  	_ =	shalt  }
0x5a: {  	_ =	shalt  }
0x5b: {  	_ =	shalt  }
0x5c: {  	_ =	shalt  }
0x5d: {  	_ =	shalt  }
0x5e: {  	_ =	shalt  }
0x5f: {  	_ =	shalt  }
0x60: {  	_ =	shalt  }
0x61: {  	_ =	shalt  }
0x62: {  	_ =	shalt  }
0x63: {  	_ =	shalt  }
0x64: {  	_ =	shalt  }
0x65: {  	_ =	shalt  }
0x66: {  	_ =	shalt  }
0x67: {  	_ =	shalt  }
0x68: {  	_ =	shalt  }
0x69: {  	_ =	shalt  }
0x6a: {  	_ =	shalt  }
0x6b: {  	_ =	shalt  }
0x6c: {  	_ =	shalt  }
0x6d: {  	_ =	shalt  }
0x6e: {  	_ =	shalt  }
0x6f: {  	_ =	shalt  }
0x70: {  	_ =	shalt  }
0x71: {  	_ =	shalt  }
0x72: {  	_ =	shalt  }
0x73: {  	_ =	shalt  }
0x74: {  	_ =	shalt  }
0x75: {  	_ =	shalt  }
0x76: {  	_ =	shalt  }
0x77: {  	_ =	shalt  }
0x78: {  	_ =	shalt  }
0x79: {  	_ =	shalt  }
0x7a: {  	_ =	shalt  }
0x7b: {  	_ =	shalt  }
0x7c: {  	_ =	shalt  }
0x7d: {  	_ =	shalt  }
0x7e: {  	_ =	shalt  }
0x7f: {  	_ =	shalt  }
0x80: {  	_ =	shalt  }
0x81: {  	_ =	shalt  }
0x82: {  	_ =	shalt  }
0x83: {  	_ =	shalt  }
0x84: {  	_ =	shalt  }
0x85: {  	_ =	shalt  }
0x86: {  	_ =	shalt  }
0x87: {  	_ =	shalt  }
.Lfunc_end0:
.L_simem_size_0:
called_computation.3_lowered:
.L_overlay_start_0:
0x88: {  	s2 =	sld [smem:$0x3FD9]  }
0x89: {  	s3 =	sld [smem:$0x3FFE];
	_ =	sdelay $0x1  }
0x8a: {  	s1 =	srdreg.scid  }
0x8b: {  	s0 =	sand.u32 $0x1, s1  }
0x8c: {  	s17 =	sshll.u32 s0, $0xA;
	s2 =	sadd.s32 s3, s2  }
0x8d: {  	s2 =	sadd.s32 s2, s17  }
0x8e: {  	[smem:$0x3FBF] =	sst s2  }
0x8f: {  	_ = 	snop  }
0x90: {  	s2 =	sld [smem:$0x3FD0];
	(tm) =	ssettm $0x1  }
0x91: {  	s18 =	sld [smem:$0x3FFB];
	_ =	sdelay $0x3  }
0x92: {  	_ =	strace s18  }
0x93: {  	s3 =	sld [smem:$0x3FFC];
	_ =	sdelay $0x3  }
0x94: {  	_ =	strace s3  }
0x95: {  	s3 =	sld [smem:$0x3FFD];
	_ =	sdelay $0x3  }
0x96: {  	_ =	strace s3  }
0x97: {  	_ =	strace $0x8FFFFFFF  }
0x98: {  	s19 =	sld [smem:$0x3FDB];
	_ =	sdelay $0x1  }
0x99: {  	s4 =	simm.s32 $_scs_section_size  }
0x9a: {  	s5 =	simm.s32 $_size__tile_overlayer_lowered;
	s6 =	simm.s32 $_tile_overlayer_lowered  }
0x9b: {  	s22 =	simm.s32 $0x1BFF;
	s21 =	sshll.u32 s6, $0x1;
	s3 =	sadd.s32 s4, s19  }
0x9c: {  	s7 =	simm.s32 $0x0;
	s20 =	sshll.u32 s5, $0x1;
	s5 =	sadd.s32 s21, s3  }
0x9d: {  	[timem:s7], [sflag:s22] =	dma.local [hbm:s5], s20  }
0x9e: {  	_ =	swait.ge [sflag:s22], s20  }
0x9f: {  	s4 =	ssub.s32 $0x0, s20;
	[sflag:s22] =	ssyncset.done $0x0  }
0xa0: {  	[sflag:s22] =	ssyncadd.s32 s4;
	_ =	sdelay $0x1  }
0xa1: {  	s23 =	simm.s32 $0x1B8B  }
0xa2: {  	_ =	swait.ge [sflag:s23], $0x1  }
0xa3: {  	[sflag:s23] =	ssyncset.done $0x0  }
0xa4: {  	s25 =	simm.s32 $0x1B8E;
	s24 =	sld [smem:$0x3FFE];
	[sflag:s23] =	ssyncadd.s32 $0xFFFFFFFF  }
0xa5: {  	s26 =	simm.s32 $execute0_lowered;
	[smem:$0x3FD2] =	sst s25  }
0xa6: {  	s5 =	sshll.u32 s26, $0x1;
	_ =	strace $0x8000004F;
	[dreg:$0x1] =	wrdreg $0xFFFFFFFF  }
0xa7: {  	s28 =	simm.s32 $_size_execute0_lowered;
	s3 =	sadd.s32 s3, s5;
	[dreg:$0x0] =	wrdreg $0x0  }
0xa8: {  	s5 =	sshll.u32 s28, $0x1;
	[dreg:$0x2] =	wrdreg s3  }
0xa9: {  	[dreg:$0x3] =	wrdreg s5  }
0xaa: {  	[dreg:$0x4] =	wrdreg $0xC0  }
0xab: {  	_ =	task [dreg:s7], $0x5FFFF  }
0xac: {  	[dreg:$0x1] =	wrdreg $0xFFFFFFFF  }
0xad: {  	[dreg:$0x0] =	wrdreg $0x60  }
0xae: {  	[dreg:$0x2] =	wrdreg s2  }
0xaf: {  	[dreg:$0x3] =	wrdreg s24  }
0xb0: {  	[dreg:$0x4] =	wrdreg $0x41000  }
0xb1: {  	[dreg:$0x5] =	wrdreg $0x9  }
0xb2: {  	_ =	task.clear_ibuf [dreg:s7], $0x6FFFF;
	_ =	strace $0x9000004F  }
0xb3: {  	s29 =	simm.s32 $0x9;
	_ =	strace $0x80000051  }
0xb4: {  	_ =	swait.ge [sflag:s29], $0x1  }
0xb5: {  	[sflag:s29] =	ssyncadd.s32 $0xFFFFFFFF  }
0xb6: {  	_ =	strace $0x90000051  }
0xb7: {  	_ =	sfence  }
0xb8: {  	s30 =	sld [smem:$0x0];
	_ =	sdelay $0x2  }
0xb9: {  	s31 =	sshll.u32 s1, $0xD;
	s1 =	sshrl.u32 s1, $0x2  }
0xba: {  	s3 =	sand.u32 $0x4000, s31;
	s1 =	sadd.s32 s1, s30  }
0xbb: {  	s0 =	sor.u32 s3, s0;
	s1 =	sshll.u32 s1, $0x11  }
0xbc: {  	s0 =	sor.u32 s1, s0  }
0xbd: {  	s0 =	sadd.s32 $0x8F2B, s0  }
0xbe: {  	[sflag:s0] =	ssyncadd.remote.s32 $0x1  }
0xbf: {  	_ =	sfence.sel $0xFFFF  }
0xc0: {  	[dreg:$0x0] =	wrdreg $0xFFFFFFFF;
	(pc) =	sbr.abs _section_cstart, $3  }
0xc1: {  	[dreg:$0x1] =	wrdreg $0xFFFFFFFF  }
0xc2: {  	_ =	task.clear_ibuf [dreg:s7], $0x2FFFF;
	_ =	strace $0x9FFFFFFF  }
0xc3: {  	(tm) =	ssettm $0x7FFFFFFF  }
tec
execute0_lowered:
.L_overlay_start_1:
0x0: {  	(tag) =	ssettag $0x1  }
0x1: {  	s0 =	srdreg.scid;
	s1 =	rddreg [dreg:$0x0]  }
0x2: {  	s6 =	rddreg [dreg:$0x1];
	s5 =	sand.u32 $0x1, s0  }
0x3: {  	s0 =	stileid.u32;
	s4 =	smul.u32 $0x4E0, s5  }
0x4: {  	s3 =	rddreg [dreg:$0x2];
	s14 =	simm.s32 $0x80;
	s7 =	smul.u32 $0x4E, s0  }
0x5: {  	s15 =	simm.s32 $0x100;
	s16 =	simm.s32 $0x1;
	s26 =	smul.u32 $0x13C00, s0  }
0x6: {  	s17 =	simm.s32 $0x0;
	s2 =	sshll.u32 s5, $0x4;
	s10 =	smul.u32 $0x13C000, s5  }
0x7: {  	s29 =	smul.u32 $0x4F000, s0;
	s5 =	ssub.s32 $0x2, s5;
	s31 =	sshll.u32 s0, $0x6  }
0x8: {  	s8 =	sor.u32 s0, s2;
	s2 =	rddreg [dreg:$0x3];
	s30 =	sshrl.u32 s5, $0x1  }
0x9: {  	s7 =	sadd.s32 s7, s4;
	s9 =	smin.u32 s8, $0x4;
	s4 =	simm.s32 $0x0  }
0xa: {  	s28 =	sshrl.u32 s26, $0x3;
	s12 =	ssub.s32 s5, s30;
	p0 =	slt.u32 s8, $0x4  }
0xb: {  	s7 =	sadd.s32 s9, s7;
	[smem:$0x7FF] =	sst s4;
	s9 =	sadd.s32 s26, s10  }
0xc: {  	s10 =	sshrl.u32 s29, $0x2;
	s7 =	sshll.u32 s7, $0x4;
	_ =	strace $0x80000050  }
0xd: {  	s9 =	sshrl.u32 s9, $0x3;
	s13 =	sadd.s32 s10, s3;
	s11 =	sadd.s32 s7, s6  }
0xe: {  	s7 =	sadd.s32 s28, s6;
	s9 =	sadd.s32 s9, s6;
	s6 =	simm.s32 $0x4F  }
0xf: {  	s5 =	sadd.s32 $0x16000, s7;
	s7 =	sor.u32 $0x1C02, s31;
	s6 =	simm.s32 @!p0 $0x4E  }
0x10: {  	s8 =	sadd.s32 $0x3D800, s9;
	s9 =	smax.u32 s12, $0x1;
	s10 =	sadd.s32 $0x2400, s11  }
0x11: {  	s11 =	sadd.s32 $0xC200, s11;
	s12 =	sshrl.u32 s13, $0x3;
	s13 =	simm.s32 $0x2  }
.LBB2_1:
0x12: {  	[spmem:s12], [sflag:s7] =	dma.local [hbm:s5], $0x2780  }
0x13: {  	_ =	swait.ge [sflag:s13], $0x2780  }
0x14: {  	[sflag:s13] =	ssyncset.done $0x0  }
0x15: {  	[sflag:s13] =	ssyncadd.s32 $0xFFFFD880  }
0x16: {  	[bflag:$0x0] =	sbarrier.arrive $0xFFFF  }
0x17: {  	[tilespmem:s4], [sflag:$0x2] =	stream.linear.gather [hbm4b:s10+s4], $0x80, $0x38;
	[tilespmem:$0x17D00] =	vst v63  }
0x18: {  	_ =	swait.ge [sflag:s13], $0x80  }
0x19: {  	[sflag:s13] =	ssyncset.done $0x0  }
0x1a: {  	[sflag:s13] =	ssyncadd.s32 $0xFFFFFF80  }
0x1b: {  	[tilespmem:s14], [sflag:$0x2] =	stream.linear.gather [hbm4b:s11+s4], $0x80, $0x38;
	[tilespmem:$0x17D00] =	vst v63  }
0x1c: {  	_ =	swait.ge [sflag:s13], $0x80  }
0x1d: {  	[sflag:s13] =	ssyncset.done $0x0  }
0x1e: {  	[sflag:s13] =	ssyncadd.s32 $0xFFFFFF80  }
0x1f: {  	[tilespmem:s15], [sflag:$0x1] =	stream.indirect.gather [hbm4b:s1+s14], $0x80, s4, s14, $0xb8;
	[tilespmem:$0x17D00] =	vst v63  }
0x20: {  	p0 =	sne.s32 s6, $0x1;
	_ =	swait.ge [sflag:s16], $0x4000  }
.Ltmp0:
0x21: {  	[sflag:s16] =	ssyncset.done $0x0;
	(pc) =	sbr.rel @!p0 .LBB2_3-.Ltmp0, $4  }
0x22: {  	[sflag:s16] =	ssyncadd.s32 $0xFFFFC000  }
0x23: {  	[spmem:s3] =	stream.indirect.scatter.add.f32 [tilespmem:s15], [sflag:$0x2], $0x80, s14, s14, $0xb8;
	[tilespmem:$0x17D00] =	vst v63  }
0x24: {  	s18 =	sadd.s32 $0xFFFFFFFF, s6;
	_ =	swait.ge [sflag:s13], $0x4000  }
0x25: {  	s19 =	smov.u32 s10;
	s20 =	smov.u32 s11;
	[sflag:s13] =	ssyncset.done $0x0  }
.LBB2_2:
0x26: {  	[sflag:s13] =	ssyncadd.s32 $0xFFFFC000;
	s19 =	sadd.s32 $0x10, s19;
	s20 =	sadd.s32 $0x10, s20  }
0x27: {  	[tilespmem:s4], [sflag:$0x2] =	stream.linear.gather [hbm4b:s19+s4], $0x80, $0x38;
	[tilespmem:$0x17D00] =	vst v63  }
0x28: {  	p0 =	sne.s32 s18, $0x1;
	s18 =	sadd.s32 $0xFFFFFFFF, s18;
	_ =	swait.ge [sflag:s13], $0x80  }
0x29: {  	[sflag:s13] =	ssyncset.done $0x0  }
0x2a: {  	[sflag:s13] =	ssyncadd.s32 $0xFFFFFF80  }
0x2b: {  	[tilespmem:s14], [sflag:$0x2] =	stream.linear.gather [hbm4b:s20+s4], $0x80, $0x38;
	[tilespmem:$0x17D00] =	vst v63  }
0x2c: {  	_ =	swait.ge [sflag:s13], $0x80  }
0x2d: {  	[sflag:s13] =	ssyncset.done $0x0  }
0x2e: {  	[sflag:s13] =	ssyncadd.s32 $0xFFFFFF80  }
0x2f: {  	[tilespmem:s15], [sflag:$0x1] =	stream.indirect.gather [hbm4b:s1+s14], $0x80, s4, s14, $0xb8;
	[tilespmem:$0x17D00] =	vst v63  }
0x30: {  	_ =	swait.ge [sflag:s16], $0x4000  }
.Ltmp1:
0x31: {  	[sflag:s16] =	ssyncset.done $0x0;
	(pc) =	sbr.rel @p0 .LBB2_2-.Ltmp1, $4  }
0x32: {  	[sflag:s16] =	ssyncadd.s32 $0xFFFFC000  }
0x33: {  	[spmem:s3] =	stream.indirect.scatter.add.f32 [tilespmem:s15], [sflag:$0x2], $0x80, s14, s14, $0xb8;
	[tilespmem:$0x17D00] =	vst v63  }
0x34: {  	_ =	swait.ge [sflag:s13], $0x4000  }
0x35: {  	[sflag:s13] =	ssyncset.done $0x0  }
.LBB2_3:
0x36: {  	s17 =	sadd.s32 $0x1, s17  }
0x37: {  	[sflag:s13] =	ssyncadd.s32 $0xFFFFC000;
	p0 =	sne.s32 s17, s9  }
.Ltmp2:
0x38: {  	[bflag:$0x0] =	sbarrier.arrive $0xFFFF;
	(pc) =	sbr.rel @p0 .LBB2_1-.Ltmp2, $4  }
0x39: {  	[hbm:s8], [sflag:s7] =	dma.local [spmem:s12], $0x2780  }
0x3a: {  	_ =	swait.ge [sflag:s13], $0x2780  }
0x3b: {  	[sflag:s13] =	ssyncset.done $0x0  }
0x3c: {  	[sflag:s13] =	ssyncadd.s32 $0xFFFFD880  }
0x3d: {  	_ =	sfence.sel $0x180000  }
0x3e: {  	[bflag:$0x0] =	sbarrier.arrive $0xFFFF  }
0x3f: {  	p0 =	sne.s32 s0, $0x0;
	_ =	strace $0x90000050  }
0x40: {  	s0 =	sadd.s32 @!p0 $0x100000, s2;
	[bflag:$0x2] =	sbarrier.arrive $0xFFFF  }
0x41: {  	[sflag:s0] =	ssyncadd.tile.s32 @!p0 $0x1;
	_ =	shalt  }
.Lfunc_end2:
_tile_overlayer_lowered:
.L_overlay_start_2:
0x42: {  	(tag) =	ssettag $0x2  }
0x43: {  	s0 =	rddreg [dreg:$0x0];
	s2 =	stileid.u32  }
0x44: {  	s1 =	rddreg [dreg:$0x1];
	p0 =	sne.s32 s2, $0x0  }
0x45: {  	s3 =	rddreg [dreg:$0x2];
	[bflag:$0x3] =	sbarrier.arrive $0xFFFF;
	s2 =	simm.s32 @!p0 $0x1C02  }
0x46: {  	[timem:s3], [sflag:s2] =	dma.local @!p0 [hbm:s0], s1  }
0x47: {  	s0 =	simm.s32 @!p0 $0x2  }
0x48: {  	_ =	swait.ge @!p0 [sflag:s0], s1  }
0x49: {  	s1 =	ssub.s32 @!p0 $0x0, s1;
	[sflag:s0] =	ssyncset.done @!p0 $0x0  }
0x4a: {  	[sflag:s0] =	ssyncadd.s32 @!p0 s1  }
0x4b: {  	[bflag:$0x3] =	sbarrier.arrive $0xFFFF  }
0x4c: {  	_ =	shalt  }

</sc_bundles>
